<compile_context>
chip_gen: v7x
topology: tpu7x:2x2x1
jax: 0.10.2.dev20260603
libtpu: 0.0.44.dev20260713+nightly
codegen_flags: <defaults>
</compile_context>

<pallas_src>
import functools

import jax
import jax.numpy as jnp
from jax import lax
from jax.experimental import pallas as pl
from jax.experimental.pallas import tpu as pltpu
from jax.experimental.pallas import tpu_sc as plsc

_VOCAB = 100000
_D = 64
_B = 4096
_CTX = 20
_HID = 128
_NIDX = _B * _CTX

_VT = 2048
_NV = (_VOCAB + _VT - 1) // _VT
_BT = 1024
_NB = _B // _BT


_DP = 128


def _sc_gather(emb_pad, idx):
    info = plsc.get_sparse_core_info()
    nw = info.num_cores * info.num_subcores
    per_w = _NIDX // nw
    stage = per_w // 4
    n_chunks = stage // 128
    mesh = plsc.VectorSubcoreMesh(core_axis_name="c", subcore_axis_name="s")

    @functools.partial(
        pl.kernel,
        mesh=mesh,
        out_type=jax.ShapeDtypeStruct((_NIDX, _DP), jnp.float32),
        scratch_types=[
            pltpu.VMEM((per_w,), jnp.int32),
            pltpu.VMEM((stage, _DP), jnp.float32),
            pltpu.SemaphoreType.DMA,
        ],
    )
    def k(emb_hbm, idx_hbm, out_hbm, idx_v, rows_v, sem):
        wid = lax.axis_index("s") * info.num_cores + lax.axis_index("c")
        base = wid * per_w
        pltpu.sync_copy(idx_hbm.at[pl.ds(base, per_w)], idx_v)
        for h in range(per_w // stage):
            cps = [
                pltpu.async_copy(
                    emb_hbm.at[idx_v.at[pl.ds(h * stage + j * 128, 128)]],
                    rows_v.at[pl.ds(j * 128, 128)],
                    sem,
                )
                for j in range(n_chunks)
            ]
            for c in cps:
                c.wait()
            pltpu.sync_copy(rows_v, out_hbm.at[pl.ds(base + h * stage, stage)])

    return k(emb_pad, idx)


def _mlp1(embeds, w1b, b1r):
    feat = _CTX * _DP

    def body(e_ref, w_ref, b_ref, h_ref):
        e = e_ref[...].astype(jnp.bfloat16)
        acc = lax.dot_general(
            e, w_ref[...], (((1,), (0,)), ((), ())),
            preferred_element_type=jnp.float32,
        )
        h_ref[...] = jnp.maximum(acc + b_ref[...], 0.0).astype(jnp.bfloat16)

    return pl.pallas_call(
        body,
        grid=(_NB,),
        in_specs=[
            pl.BlockSpec((_BT, feat), lambda b: (b, 0)),
            pl.BlockSpec((feat, _HID), lambda b: (0, 0)),
            pl.BlockSpec((1, _HID), lambda b: (0, 0)),
        ],
        out_specs=pl.BlockSpec((_BT, _HID), lambda b: (b, 0)),
        out_shape=jax.ShapeDtypeStruct((_B, _HID), jnp.bfloat16),
    )(embeds, w1b, b1r)


def _lse(h, w2b, b2r):

    def body(h_ref, w_ref, b2_ref, c_ref, m_scr, s_scr):
        v = pl.program_id(0)
        b = pl.program_id(1)
        logits = lax.dot_general(
            h_ref[...], w_ref[...], (((1,), (0,)), ((), ())),
            preferred_element_type=jnp.float32,
        ) + b2_ref[...]
        col = v * _VT + lax.broadcasted_iota(jnp.int32, (1, _VT), 1)
        logits = jnp.where(col < _VOCAB, logits, -jnp.inf)
        bs = pl.ds(b * _BT, _BT)

        @pl.when(v == 0)
        def _init():
            m_scr[bs, :] = jnp.full((_BT, 1), -jnp.inf, jnp.float32)
            s_scr[bs, :] = jnp.zeros((_BT, 1), jnp.float32)

        m_old = m_scr[bs, :]
        m_new = jnp.maximum(m_old, jnp.max(logits, axis=1, keepdims=True))
        s_new = s_scr[bs, :] * jnp.exp(m_old - m_new) + jnp.sum(
            jnp.exp(logits - m_new), axis=1, keepdims=True
        )
        m_scr[bs, :] = m_new
        s_scr[bs, :] = s_new
        c_ref[...] = m_new + jnp.log(s_new)

    return pl.pallas_call(
        body,
        grid=(_NV, _NB),
        in_specs=[
            pl.BlockSpec((_BT, _HID), lambda v, b: (b, 0)),
            pl.BlockSpec((_HID, _VT), lambda v, b: (0, v)),
            pl.BlockSpec((1, _VT), lambda v, b: (0, v)),
        ],
        out_specs=pl.BlockSpec((_BT, 1), lambda v, b: (b, 0)),
        out_shape=jax.ShapeDtypeStruct((_B, 1), jnp.float32),
        scratch_shapes=[
            pltpu.VMEM((_B, 1), jnp.float32),
            pltpu.VMEM((_B, 1), jnp.float32),
        ],
        compiler_params=pltpu.CompilerParams(
            dimension_semantics=("arbitrary", "arbitrary"),
        ),
    )(h, w2b, b2r)


_NBUF = 4
_NVF = _NV - 1
_VTW = 128
_TOFF = _NVF * _VT // _VTW
_NT = -(-(_VOCAB - _NVF * _VT) // _VTW)


def _tail(h, w2b, b2r, c):

    def body(h_ref, w_ref, b2_ref, c_ref, o_ref):
        logits = lax.dot_general(
            h_ref[...], w_ref[...], (((1,), (0,)), ((), ())),
            preferred_element_type=jnp.float32,
        )
        o_ref[...] = logits + b2_ref[...] - c_ref[...]

    return pl.pallas_call(
        body,
        grid=(_NT,),
        in_specs=[
            pl.BlockSpec((_B, _HID), lambda j: (0, 0)),
            pl.BlockSpec((_HID, _VTW), lambda j: (0, _TOFF + j)),
            pl.BlockSpec((1, _VTW), lambda j: (0, _TOFF + j)),
            pl.BlockSpec((_B, 1), lambda j: (0, 0)),
        ],
        out_specs=pl.BlockSpec((_B, _VTW), lambda j: (0, _TOFF + j)),
        out_shape=jax.ShapeDtypeStruct((_B, _VOCAB), jnp.float32),
    )(h, w2b, b2r, c)


_FBT = 128
_FNB = _B // _FBT
_FVT = 16384
_FNV = _NVF * _VT // _FVT


def _final(h, w2b, b2r, c, out):
    n_steps = _FNV * _FNB

    def body(h_ref, w_ref, b2_ref, c_ref, o_in_ref, o_ref, obuf, sems):
        del o_in_ref
        v = pl.program_id(0)
        b = pl.program_id(1)
        s = v * _FNB + b
        slot = lax.rem(s, _NBUF)


        @pl.when(s >= _NBUF)
        def _wait_prev():
            pltpu.make_async_copy(
                obuf.at[slot],
                o_ref.at[pl.ds(b * _FBT, _FBT), pl.ds(0, _FVT)],
                sems.at[slot],
            ).wait()

        logits = lax.dot_general(
            h_ref[...], w_ref[...], (((1,), (0,)), ((), ())),
            preferred_element_type=jnp.float32,
        )
        obuf[slot] = logits + b2_ref[...] - c_ref[...]

        for k in range(_NBUF):
            @pl.when(slot == k)
            def _put():
                pltpu.make_async_copy(
                    obuf.at[slot],
                    o_ref.at[pl.ds(b * _FBT, _FBT), pl.ds(v * _FVT, _FVT)],
                    sems.at[slot],
                ).start(priority=k % 2)

        @pl.when(s == n_steps - 1)
        def _drain():
            for k in range(_NBUF):
                sk = n_steps - _NBUF + k
                pltpu.make_async_copy(
                    obuf.at[sk % _NBUF],
                    o_ref.at[pl.ds((sk % _FNB) * _FBT, _FBT),
                             pl.ds((sk // _FNB) * _FVT, _FVT)],
                    sems.at[sk % _NBUF],
                ).wait()



    return pl.pallas_call(
        body,
        grid=(_FNV, _FNB),
        in_specs=[
            pl.BlockSpec((_FBT, _HID), lambda v, b: (b, 0)),
            pl.BlockSpec((_HID, _FVT), lambda v, b: (0, v)),
            pl.BlockSpec((1, _FVT), lambda v, b: (0, v)),
            pl.BlockSpec((_FBT, 1), lambda v, b: (b, 0)),
            pl.BlockSpec(memory_space=pl.ANY),
        ],
        out_specs=pl.BlockSpec(memory_space=pl.ANY),
        out_shape=jax.ShapeDtypeStruct((_B, _VOCAB), jnp.float32),
        scratch_shapes=[
            pltpu.VMEM((_NBUF, _FBT, _FVT), jnp.float32),
            pltpu.SemaphoreType.DMA((_NBUF,)),
        ],
        input_output_aliases={4: 0},
        compiler_params=pltpu.CompilerParams(
            dimension_semantics=("arbitrary", "arbitrary"),
        ),
    )(h, w2b, b2r, c, out)




def _wprobe2(out):
    PVT = 8192
    PNV = 12
    PNBUF = 8
    n_steps = PNV * _FNB

    def body(o_in_ref, o_ref, obuf, sems):
        del o_in_ref
        v = pl.program_id(0)
        b = pl.program_id(1)
        s = v * _FNB + b
        slot = lax.rem(s, PNBUF)

        @pl.when(s >= PNBUF)
        def _wait_prev():
            pltpu.make_async_copy(
                obuf.at[slot],
                o_ref.at[pl.ds(b * _FBT, _FBT), pl.ds(0, PVT)],
                sems.at[slot],
            ).wait()

        obuf[slot] = jnp.full((_FBT, PVT), 1.0, jnp.float32)

        for k in range(PNBUF):
            @pl.when(slot == k)
            def _put():
                pltpu.make_async_copy(
                    obuf.at[slot],
                    o_ref.at[pl.ds(b * _FBT, _FBT), pl.ds(v * PVT, PVT)],
                    sems.at[slot],
                ).start(priority=k % 2)

        @pl.when(s == n_steps - 1)
        def _drain():
            for k in range(PNBUF):
                sk = n_steps - PNBUF + k
                pltpu.make_async_copy(
                    obuf.at[sk % PNBUF],
                    o_ref.at[pl.ds((sk % _FNB) * _FBT, _FBT),
                             pl.ds((sk // _FNB) * PVT, PVT)],
                    sems.at[sk % PNBUF],
                ).wait()

    return pl.pallas_call(
        body,
        grid=(PNV, _FNB),
        in_specs=[pl.BlockSpec(memory_space=pl.ANY)],
        out_specs=pl.BlockSpec(memory_space=pl.ANY),
        out_shape=jax.ShapeDtypeStruct((_B, _VOCAB), jnp.float32),
        scratch_shapes=[
            pltpu.VMEM((PNBUF, _FBT, PVT), jnp.float32),
            pltpu.SemaphoreType.DMA((PNBUF,)),
        ],
        input_output_aliases={0: 0},
        compiler_params=pltpu.CompilerParams(
            dimension_semantics=("arbitrary", "arbitrary"),
        ),
    )(out)


def kernel(inputs, emb, W1, b1, W2, b2):
    idx = inputs.reshape(-1).astype(jnp.int32)
    emb_pad = jnp.pad(emb, ((0, 0), (0, _DP - _D)))
    embeds = _sc_gather(emb_pad, idx).reshape(_B, _CTX * _DP)
    w1p = jnp.pad(
        W1.reshape(_HID, _CTX, _D), ((0, 0), (0, 0), (0, _DP - _D))
    ).reshape(_HID, _CTX * _DP).astype(jnp.bfloat16).T
    w2b = W2.astype(jnp.bfloat16).T
    b1r = b1.reshape(1, _HID)
    b2r = b2.reshape(1, _VOCAB)
    h = _mlp1(embeds, w1p, b1r)
    c = _lse(h, w2b, b2r)
    out = _tail(h, w2b, b2r, c)
    return _wprobe2(out)

# --- scband reference (transcript-rebuilt; emitter-appended) ---
"""Pipeline reference for scband-ngram-language-modeler-21457656611096 (READ-ONLY COPY).

The authoritative reference and input builder live on the scoring server;
editing this copy changes nothing except your own understanding.
"""

import jax, jax.numpy as jnp
import numpy as np

VOCAB = 100000
EMBED_DIM = 64
CONTEXT = 20
BATCH = 4096
HIDDEN = 128


def setup_inputs(seed: int = 0) -> dict:
    key = jax.random.key(seed)
    k_inp, k_emb, k_w1, k_b1, k_w2, k_b2 = jax.random.split(key, 6)
    inputs = jax.random.randint(k_inp, (BATCH, CONTEXT), 0, VOCAB, dtype=jnp.int64 if jax.config.jax_enable_x64 else jnp.int32)
    emb = jax.random.normal(k_emb, (VOCAB, EMBED_DIM), dtype=jnp.float32)
    # torch nn.Linear default init: U(-1/sqrt(fan_in), 1/sqrt(fan_in))
    fan1 = CONTEXT * EMBED_DIM
    W1 = jax.random.uniform(k_w1, (HIDDEN, fan1), minval=-1.0 / np.sqrt(fan1), maxval=1.0 / np.sqrt(fan1), dtype=jnp.float32)
    b1 = jax.random.uniform(k_b1, (HIDDEN,), minval=-1.0 / np.sqrt(fan1), maxval=1.0 / np.sqrt(fan1), dtype=jnp.float32)
    W2 = jax.random.uniform(k_w2, (VOCAB, HIDDEN), minval=-1.0 / np.sqrt(HIDDEN), maxval=1.0 / np.sqrt(HIDDEN), dtype=jnp.float32)
    b2 = jax.random.uniform(k_b2, (VOCAB,), minval=-1.0 / np.sqrt(HIDDEN), maxval=1.0 / np.sqrt(HIDDEN), dtype=jnp.float32)
    return {"inputs": inputs, "emb": emb, "W1": W1, "b1": b1, "W2": W2, "b2": b2}


def reference(inputs, emb, W1, b1, W2, b2):
    # embedding lookup: gather rows of the table
    embeds = jnp.take(emb, inputs, axis=0)                 # [B, CONTEXT, EMBED_DIM]
    embeds = embeds.reshape(inputs.shape[0], -1)           # [B, CONTEXT*EMBED_DIM]
    h = jax.nn.relu(embeds @ W1.T + b1)                    # [B, 128]
    out = h @ W2.T + b2                                    # [B, VOCAB]
    log_probs = jax.nn.log_softmax(out, axis=1)
    return log_probs

if __name__ == "__main__":
    import jax
    _d = setup_inputs()
    print(jax.jit(kernel)(*tuple(_d.values())))

</pallas_src>

<mosaic_0001>
#map = affine_map<(d0, d1) -> (0, 0)>
#map1 = affine_map<(d0, d1) -> (0)>
module attributes {stable_mosaic.version = 14 : i64} {
  func.func @k(%arg0: i32, %arg1: i32, %arg2: memref<100000x128xf32, #tpu.memory_space<hbm>>, %arg3: memref<81920xi32, #tpu.memory_space<hbm>>, %arg4: memref<81920x128xf32, #tpu.memory_space<hbm>>, %arg5: memref<2560xi32, #tpu.memory_space<vmem>>, %arg6: memref<640x128xf32, #tpu.memory_space<vmem>>, %arg7: memref<!tpu.dma_semaphore, #tpu.memory_space<semaphore_mem>>) attributes {dimension_semantics = [#tpu.dimension_semantics<core_parallel>, #tpu.dimension_semantics<subcore_parallel>], iteration_bounds = array<i64: 2, 16>, scalar_prefetch = 0 : i64, scratch_operands = 3 : i64, tpu.core_type = #tpu.core_type<sc_vector_subcore>, window_params = [{transform_indices = #map}, {transform_indices = #map1}, {transform_indices = #map}]} {
    %mul3A = arith.constant 2 : i32
    %mul3A_0 = arith.muli %arg1, %mul3A : i32
    %add3A = arith.addi %mul3A_0, %arg0 : i32
    %mul3A_1 = arith.constant 2560 : i32
    %mul3A_2 = arith.muli %add3A, %mul3A_1 : i32
    "tpu.region"() ({
      %run_scoped3A = tpu.sem_alloc : memref<!tpu.dma_semaphore, #tpu.memory_space<semaphore_mem>>
      %dma_start3A_329 = tpu.memref_slice %arg3[%mul3A_2] : memref<81920xi32, #tpu.memory_space<hbm>> -> memref<2560xi32, #tpu.memory_space<hbm>>
      %dma_start3A_330 = tpu.memref_slice %arg3[%mul3A_2] : memref<81920xi32, #tpu.memory_space<hbm>> -> memref<2560xi32, #tpu.memory_space<hbm>>
      tpu.enqueue_dma source(%dma_start3A_330 : memref<2560xi32, #tpu.memory_space<hbm>>) target(%arg5 : memref<2560xi32, #tpu.memory_space<vmem>>) target_semaphore(%run_scoped3A : memref<!tpu.dma_semaphore, #tpu.memory_space<semaphore_mem>>)
      %dma_wait3A_331 = tpu.memref_slice %arg3[%mul3A_2] : memref<81920xi32, #tpu.memory_space<hbm>> -> memref<2560xi32, #tpu.memory_space<hbm>>
      %dma_wait3A_332 = tpu.memref_slice %arg3[%mul3A_2] : memref<81920xi32, #tpu.memory_space<hbm>> -> memref<2560xi32, #tpu.memory_space<hbm>>
      tpu.wait_dma2 semaphore(%run_scoped3A : memref<!tpu.dma_semaphore, #tpu.memory_space<semaphore_mem>>) src(%dma_wait3A_332 : memref<2560xi32, #tpu.memory_space<hbm>>) dst(%arg5 : memref<2560xi32, #tpu.memory_space<vmem>>)
      tpu.yield
    }) : () -> ()
    %dma_start3A = arith.constant 0 : i32
    %dma_start3A_3 = arith.constant 0 : i32
    %dma_start3A_4 = tpu.memref_slice %arg6[%dma_start3A, %dma_start3A_3] : memref<640x128xf32, #tpu.memory_space<vmem>> -> memref<128x128xf32, #tpu.memory_space<vmem>>
    %dma_start3A_5 = arith.constant 0 : i32
    %dma_start3A_6 = tpu.memref_slice %arg5[%dma_start3A_5] : memref<2560xi32, #tpu.memory_space<vmem>> -> memref<128xi32, #tpu.memory_space<vmem>>
    %dma_start3A_7 = arith.constant 0 : i32
    %dma_start3A_8 = arith.constant 0 : i32
    %dma_start3A_9 = tpu.memref_slice %arg2[%dma_start3A_7, %dma_start3A_8] : memref<100000x128xf32, #tpu.memory_space<hbm>> -> memref<100000x128xf32, #tpu.memory_space<hbm>>
    tpu.enqueue_indirect_dma source(%dma_start3A_9 : memref<100000x128xf32, #tpu.memory_space<hbm>>) target(%dma_start3A_4 : memref<128x128xf32, #tpu.memory_space<vmem>>) offsets(%dma_start3A_6 : memref<128xi32, #tpu.memory_space<vmem>>) semaphore(%arg7 : memref<!tpu.dma_semaphore, #tpu.memory_space<semaphore_mem>>)
    %dma_start3A_10 = arith.constant 128 : i32
    %dma_start3A_11 = arith.constant 0 : i32
    %dma_start3A_12 = tpu.memref_slice %arg6[%dma_start3A_10, %dma_start3A_11] : memref<640x128xf32, #tpu.memory_space<vmem>> -> memref<128x128xf32, #tpu.memory_space<vmem>>
    %dma_start3A_13 = arith.constant 128 : i32
    %dma_start3A_14 = tpu.memref_slice %arg5[%dma_start3A_13] : memref<2560xi32, #tpu.memory_space<vmem>> -> memref<128xi32, #tpu.memory_space<vmem>>
    %dma_start3A_15 = arith.constant 0 : i32
    %dma_start3A_16 = arith.constant 0 : i32
    %dma_start3A_17 = tpu.memref_slice %arg2[%dma_start3A_15, %dma_start3A_16] : memref<100000x128xf32, #tpu.memory_space<hbm>> -> memref<100000x128xf32, #tpu.memory_space<hbm>>
    tpu.enqueue_indirect_dma source(%dma_start3A_17 : memref<100000x128xf32, #tpu.memory_space<hbm>>) target(%dma_start3A_12 : memref<128x128xf32, #tpu.memory_space<vmem>>) offsets(%dma_start3A_14 : memref<128xi32, #tpu.memory_space<vmem>>) semaphore(%arg7 : memref<!tpu.dma_semaphore, #tpu.memory_space<semaphore_mem>>)
    %dma_start3A_18 = arith.constant 256 : i32
    %dma_start3A_19 = arith.constant 0 : i32
    %dma_start3A_20 = tpu.memref_slice %arg6[%dma_start3A_18, %dma_start3A_19] : memref<640x128xf32, #tpu.memory_space<vmem>> -> memref<128x128xf32, #tpu.memory_space<vmem>>
    %dma_start3A_21 = arith.constant 256 : i32
    %dma_start3A_22 = tpu.memref_slice %arg5[%dma_start3A_21] : memref<2560xi32, #tpu.memory_space<vmem>> -> memref<128xi32, #tpu.memory_space<vmem>>
    %dma_start3A_23 = arith.constant 0 : i32
    %dma_start3A_24 = arith.constant 0 : i32
    %dma_start3A_25 = tpu.memref_slice %arg2[%dma_start3A_23, %dma_start3A_24] : memref<100000x128xf32, #tpu.memory_space<hbm>> -> memref<100000x128xf32, #tpu.memory_space<hbm>>
    tpu.enqueue_indirect_dma source(%dma_start3A_25 : memref<100000x128xf32, #tpu.memory_space<hbm>>) target(%dma_start3A_20 : memref<128x128xf32, #tpu.memory_space<vmem>>) offsets(%dma_start3A_22 : memref<128xi32, #tpu.memory_space<vmem>>) semaphore(%arg7 : memref<!tpu.dma_semaphore, #tpu.memory_space<semaphore_mem>>)
    %dma_start3A_26 = arith.constant 384 : i32
    %dma_start3A_27 = arith.constant 0 : i32
    %dma_start3A_28 = tpu.memref_slice %arg6[%dma_start3A_26, %dma_start3A_27] : memref<640x128xf32, #tpu.memory_space<vmem>> -> memref<128x128xf32, #tpu.memory_space<vmem>>
    %dma_start3A_29 = arith.constant 384 : i32
    %dma_start3A_30 = tpu.memref_slice %arg5[%dma_start3A_29] : memref<2560xi32, #tpu.memory_space<vmem>> -> memref<128xi32, #tpu.memory_space<vmem>>
    %dma_start3A_31 = arith.constant 0 : i32
    %dma_start3A_32 = arith.constant 0 : i32
    %dma_start3A_33 = tpu.memref_slice %arg2[%dma_start3A_31, %dma_start3A_32] : memref<100000x128xf32, #tpu.memory_space<hbm>> -> memref<100000x128xf32, #tpu.memory_space<hbm>>
    tpu.enqueue_indirect_dma source(%dma_start3A_33 : memref<100000x128xf32, #tpu.memory_space<hbm>>) target(%dma_start3A_28 : memref<128x128xf32, #tpu.memory_space<vmem>>) offsets(%dma_start3A_30 : memref<128xi32, #tpu.memory_space<vmem>>) semaphore(%arg7 : memref<!tpu.dma_semaphore, #tpu.memory_space<semaphore_mem>>)
    %dma_start3A_34 = arith.constant 512 : i32
    %dma_start3A_35 = arith.constant 0 : i32
    %dma_start3A_36 = tpu.memref_slice %arg6[%dma_start3A_34, %dma_start3A_35] : memref<640x128xf32, #tpu.memory_space<vmem>> -> memref<128x128xf32, #tpu.memory_space<vmem>>
    %dma_start3A_37 = arith.constant 512 : i32
    %dma_start3A_38 = tpu.memref_slice %arg5[%dma_start3A_37] : memref<2560xi32, #tpu.memory_space<vmem>> -> memref<128xi32, #tpu.memory_space<vmem>>
    %dma_start3A_39 = arith.constant 0 : i32
    %dma_start3A_40 = arith.constant 0 : i32
    %dma_start3A_41 = tpu.memref_slice %arg2[%dma_start3A_39, %dma_start3A_40] : memref<100000x128xf32, #tpu.memory_space<hbm>> -> memref<100000x128xf32, #tpu.memory_space<hbm>>
    tpu.enqueue_indirect_dma source(%dma_start3A_41 : memref<100000x128xf32, #tpu.memory_space<hbm>>) target(%dma_start3A_36 : memref<128x128xf32, #tpu.memory_space<vmem>>) offsets(%dma_start3A_38 : memref<128xi32, #tpu.memory_space<vmem>>) semaphore(%arg7 : memref<!tpu.dma_semaphore, #tpu.memory_space<semaphore_mem>>)
    %dma_wait3A = arith.constant 0 : i32
    %dma_wait3A_42 = arith.constant 0 : i32
    %dma_wait3A_43 = tpu.memref_slice %arg6[%dma_wait3A, %dma_wait3A_42] : memref<640x128xf32, #tpu.memory_space<vmem>> -> memref<128x128xf32, #tpu.memory_space<vmem>>
    %dma_wait3A_44 = arith.constant 0 : i32
    %dma_wait3A_45 = tpu.memref_slice %arg5[%dma_wait3A_44] : memref<2560xi32, #tpu.memory_space<vmem>> -> memref<128xi32, #tpu.memory_space<vmem>>
    %dma_wait3A_46 = arith.constant 0 : i32
    %dma_wait3A_47 = arith.constant 0 : i32
    %dma_wait3A_48 = tpu.memref_slice %arg2[%dma_wait3A_46, %dma_wait3A_47] : memref<100000x128xf32, #tpu.memory_space<hbm>> -> memref<100000x128xf32, #tpu.memory_space<hbm>>
    tpu.wait_indirect_dma semaphore(%arg7 : memref<!tpu.dma_semaphore, #tpu.memory_space<semaphore_mem>>) src(%dma_wait3A_48 : memref<100000x128xf32, #tpu.memory_space<hbm>>) dst(%dma_wait3A_43 : memref<128x128xf32, #tpu.memory_space<vmem>>)
    %dma_wait3A_49 = arith.constant 128 : i32
    %dma_wait3A_50 = arith.constant 0 : i32
    %dma_wait3A_51 = tpu.memref_slice %arg6[%dma_wait3A_49, %dma_wait3A_50] : memref<640x128xf32, #tpu.memory_space<vmem>> -> memref<128x128xf32, #tpu.memory_space<vmem>>
    %dma_wait3A_52 = arith.constant 128 : i32
    %dma_wait3A_53 = tpu.memref_slice %arg5[%dma_wait3A_52] : memref<2560xi32, #tpu.memory_space<vmem>> -> memref<128xi32, #tpu.memory_space<vmem>>
    %dma_wait3A_54 = arith.constant 0 : i32
    %dma_wait3A_55 = arith.constant 0 : i32
    %dma_wait3A_56 = tpu.memref_slice %arg2[%dma_wait3A_54, %dma_wait3A_55] : memref<100000x128xf32, #tpu.memory_space<hbm>> -> memref<100000x128xf32, #tpu.memory_space<hbm>>
    tpu.wait_indirect_dma semaphore(%arg7 : memref<!tpu.dma_semaphore, #tpu.memory_space<semaphore_mem>>) src(%dma_wait3A_56 : memref<100000x128xf32, #tpu.memory_space<hbm>>) dst(%dma_wait3A_51 : memref<128x128xf32, #tpu.memory_space<vmem>>)
    %dma_wait3A_57 = arith.constant 256 : i32
    %dma_wait3A_58 = arith.constant 0 : i32
    %dma_wait3A_59 = tpu.memref_slice %arg6[%dma_wait3A_57, %dma_wait3A_58] : memref<640x128xf32, #tpu.memory_space<vmem>> -> memref<128x128xf32, #tpu.memory_space<vmem>>
    %dma_wait3A_60 = arith.constant 256 : i32
    %dma_wait3A_61 = tpu.memref_slice %arg5[%dma_wait3A_60] : memref<2560xi32, #tpu.memory_space<vmem>> -> memref<128xi32, #tpu.memory_space<vmem>>
    %dma_wait3A_62 = arith.constant 0 : i32
    %dma_wait3A_63 = arith.constant 0 : i32
    %dma_wait3A_64 = tpu.memref_slice %arg2[%dma_wait3A_62, %dma_wait3A_63] : memref<100000x128xf32, #tpu.memory_space<hbm>> -> memref<100000x128xf32, #tpu.memory_space<hbm>>
    tpu.wait_indirect_dma semaphore(%arg7 : memref<!tpu.dma_semaphore, #tpu.memory_space<semaphore_mem>>) src(%dma_wait3A_64 : memref<100000x128xf32, #tpu.memory_space<hbm>>) dst(%dma_wait3A_59 : memref<128x128xf32, #tpu.memory_space<vmem>>)
    %dma_wait3A_65 = arith.constant 384 : i32
    %dma_wait3A_66 = arith.constant 0 : i32
    %dma_wait3A_67 = tpu.memref_slice %arg6[%dma_wait3A_65, %dma_wait3A_66] : memref<640x128xf32, #tpu.memory_space<vmem>> -> memref<128x128xf32, #tpu.memory_space<vmem>>
    %dma_wait3A_68 = arith.constant 384 : i32
    %dma_wait3A_69 = tpu.memref_slice %arg5[%dma_wait3A_68] : memref<2560xi32, #tpu.memory_space<vmem>> -> memref<128xi32, #tpu.memory_space<vmem>>
    %dma_wait3A_70 = arith.constant 0 : i32
    %dma_wait3A_71 = arith.constant 0 : i32
    %dma_wait3A_72 = tpu.memref_slice %arg2[%dma_wait3A_70, %dma_wait3A_71] : memref<100000x128xf32, #tpu.memory_space<hbm>> -> memref<100000x128xf32, #tpu.memory_space<hbm>>
    tpu.wait_indirect_dma semaphore(%arg7 : memref<!tpu.dma_semaphore, #tpu.memory_space<semaphore_mem>>) src(%dma_wait3A_72 : memref<100000x128xf32, #tpu.memory_space<hbm>>) dst(%dma_wait3A_67 : memref<128x128xf32, #tpu.memory_space<vmem>>)
    %dma_wait3A_73 = arith.constant 512 : i32
    %dma_wait3A_74 = arith.constant 0 : i32
    %dma_wait3A_75 = tpu.memref_slice %arg6[%dma_wait3A_73, %dma_wait3A_74] : memref<640x128xf32, #tpu.memory_space<vmem>> -> memref<128x128xf32, #tpu.memory_space<vmem>>
    %dma_wait3A_76 = arith.constant 512 : i32
    %dma_wait3A_77 = tpu.memref_slice %arg5[%dma_wait3A_76] : memref<2560xi32, #tpu.memory_space<vmem>> -> memref<128xi32, #tpu.memory_space<vmem>>
    %dma_wait3A_78 = arith.constant 0 : i32
    %dma_wait3A_79 = arith.constant 0 : i32
    %dma_wait3A_80 = tpu.memref_slice %arg2[%dma_wait3A_78, %dma_wait3A_79] : memref<100000x128xf32, #tpu.memory_space<hbm>> -> memref<100000x128xf32, #tpu.memory_space<hbm>>
    tpu.wait_indirect_dma semaphore(%arg7 : memref<!tpu.dma_semaphore, #tpu.memory_space<semaphore_mem>>) src(%dma_wait3A_80 : memref<100000x128xf32, #tpu.memory_space<hbm>>) dst(%dma_wait3A_75 : memref<128x128xf32, #tpu.memory_space<vmem>>)
    %add3A_81 = arith.constant 0 : i32
    %add3A_82 = arith.addi %mul3A_2, %add3A_81 : i32
    "tpu.region"() ({
      %run_scoped3A = tpu.sem_alloc : memref<!tpu.dma_semaphore, #tpu.memory_space<semaphore_mem>>
      %dma_start3A_329 = arith.constant 0 : i32
      %dma_start3A_330 = tpu.memref_slice %arg4[%add3A_82, %dma_start3A_329] : memref<81920x128xf32, #tpu.memory_space<hbm>> -> memref<640x128xf32, #tpu.memory_space<hbm>>
      %dma_start3A_331 = arith.constant 0 : i32
      %dma_start3A_332 = tpu.memref_slice %arg4[%add3A_82, %dma_start3A_331] : memref<81920x128xf32, #tpu.memory_space<hbm>> -> memref<640x128xf32, #tpu.memory_space<hbm>>
      tpu.enqueue_dma source(%arg6 : memref<640x128xf32, #tpu.memory_space<vmem>>) target(%dma_start3A_332 : memref<640x128xf32, #tpu.memory_space<hbm>>) target_semaphore(%run_scoped3A : memref<!tpu.dma_semaphore, #tpu.memory_space<semaphore_mem>>)
      %dma_wait3A_333 = arith.constant 0 : i32
      %dma_wait3A_334 = tpu.memref_slice %arg4[%add3A_82, %dma_wait3A_333] : memref<81920x128xf32, #tpu.memory_space<hbm>> -> memref<640x128xf32, #tpu.memory_space<hbm>>
      %dma_wait3A_335 = arith.constant 0 : i32
      %dma_wait3A_336 = tpu.memref_slice %arg4[%add3A_82, %dma_wait3A_335] : memref<81920x128xf32, #tpu.memory_space<hbm>> -> memref<640x128xf32, #tpu.memory_space<hbm>>
      tpu.wait_dma2 semaphore(%run_scoped3A : memref<!tpu.dma_semaphore, #tpu.memory_space<semaphore_mem>>) src(%arg6 : memref<640x128xf32, #tpu.memory_space<vmem>>) dst(%dma_wait3A_336 : memref<640x128xf32, #tpu.memory_space<hbm>>)
      tpu.yield
    }) : () -> ()
    %dma_start3A_83 = arith.constant 0 : i32
    %dma_start3A_84 = arith.constant 0 : i32
    %dma_start3A_85 = tpu.memref_slice %arg6[%dma_start3A_83, %dma_start3A_84] : memref<640x128xf32, #tpu.memory_space<vmem>> -> memref<128x128xf32, #tpu.memory_space<vmem>>
    %dma_start3A_86 = arith.constant 640 : i32
    %dma_start3A_87 = tpu.memref_slice %arg5[%dma_start3A_86] : memref<2560xi32, #tpu.memory_space<vmem>> -> memref<128xi32, #tpu.memory_space<vmem>>
    %dma_start3A_88 = arith.constant 0 : i32
    %dma_start3A_89 = arith.constant 0 : i32
    %dma_start3A_90 = tpu.memref_slice %arg2[%dma_start3A_88, %dma_start3A_89] : memref<100000x128xf32, #tpu.memory_space<hbm>> -> memref<100000x128xf32, #tpu.memory_space<hbm>>
    tpu.enqueue_indirect_dma source(%dma_start3A_90 : memref<100000x128xf32, #tpu.memory_space<hbm>>) target(%dma_start3A_85 : memref<128x128xf32, #tpu.memory_space<vmem>>) offsets(%dma_start3A_87 : memref<128xi32, #tpu.memory_space<vmem>>) semaphore(%arg7 : memref<!tpu.dma_semaphore, #tpu.memory_space<semaphore_mem>>)
    %dma_start3A_91 = arith.constant 128 : i32
    %dma_start3A_92 = arith.constant 0 : i32
    %dma_start3A_93 = tpu.memref_slice %arg6[%dma_start3A_91, %dma_start3A_92] : memref<640x128xf32, #tpu.memory_space<vmem>> -> memref<128x128xf32, #tpu.memory_space<vmem>>
    %dma_start3A_94 = arith.constant 768 : i32
    %dma_start3A_95 = tpu.memref_slice %arg5[%dma_start3A_94] : memref<2560xi32, #tpu.memory_space<vmem>> -> memref<128xi32, #tpu.memory_space<vmem>>
    %dma_start3A_96 = arith.constant 0 : i32
    %dma_start3A_97 = arith.constant 0 : i32
    %dma_start3A_98 = tpu.memref_slice %arg2[%dma_start3A_96, %dma_start3A_97] : memref<100000x128xf32, #tpu.memory_space<hbm>> -> memref<100000x128xf32, #tpu.memory_space<hbm>>
    tpu.enqueue_indirect_dma source(%dma_start3A_98 : memref<100000x128xf32, #tpu.memory_space<hbm>>) target(%dma_start3A_93 : memref<128x128xf32, #tpu.memory_space<vmem>>) offsets(%dma_start3A_95 : memref<128xi32, #tpu.memory_space<vmem>>) semaphore(%arg7 : memref<!tpu.dma_semaphore, #tpu.memory_space<semaphore_mem>>)
    %dma_start3A_99 = arith.constant 256 : i32
    %dma_start3A_100 = arith.constant 0 : i32
    %dma_start3A_101 = tpu.memref_slice %arg6[%dma_start3A_99, %dma_start3A_100] : memref<640x128xf32, #tpu.memory_space<vmem>> -> memref<128x128xf32, #tpu.memory_space<vmem>>
    %dma_start3A_102 = arith.constant 896 : i32
    %dma_start3A_103 = tpu.memref_slice %arg5[%dma_start3A_102] : memref<2560xi32, #tpu.memory_space<vmem>> -> memref<128xi32, #tpu.memory_space<vmem>>
    %dma_start3A_104 = arith.constant 0 : i32
    %dma_start3A_105 = arith.constant 0 : i32
    %dma_start3A_106 = tpu.memref_slice %arg2[%dma_start3A_104, %dma_start3A_105] : memref<100000x128xf32, #tpu.memory_space<hbm>> -> memref<100000x128xf32, #tpu.memory_space<hbm>>
    tpu.enqueue_indirect_dma source(%dma_start3A_106 : memref<100000x128xf32, #tpu.memory_space<hbm>>) target(%dma_start3A_101 : memref<128x128xf32, #tpu.memory_space<vmem>>) offsets(%dma_start3A_103 : memref<128xi32, #tpu.memory_space<vmem>>) semaphore(%arg7 : memref<!tpu.dma_semaphore, #tpu.memory_space<semaphore_mem>>)
    %dma_start3A_107 = arith.constant 384 : i32
    %dma_start3A_108 = arith.constant 0 : i32
    %dma_start3A_109 = tpu.memref_slice %arg6[%dma_start3A_107, %dma_start3A_108] : memref<640x128xf32, #tpu.memory_space<vmem>> -> memref<128x128xf32, #tpu.memory_space<vmem>>
    %dma_start3A_110 = arith.constant 1024 : i32
    %dma_start3A_111 = tpu.memref_slice %arg5[%dma_start3A_110] : memref<2560xi32, #tpu.memory_space<vmem>> -> memref<128xi32, #tpu.memory_space<vmem>>
    %dma_start3A_112 = arith.constant 0 : i32
    %dma_start3A_113 = arith.constant 0 : i32
    %dma_start3A_114 = tpu.memref_slice %arg2[%dma_start3A_112, %dma_start3A_113] : memref<100000x128xf32, #tpu.memory_space<hbm>> -> memref<100000x128xf32, #tpu.memory_space<hbm>>
    tpu.enqueue_indirect_dma source(%dma_start3A_114 : memref<100000x128xf32, #tpu.memory_space<hbm>>) target(%dma_start3A_109 : memref<128x128xf32, #tpu.memory_space<vmem>>) offsets(%dma_start3A_111 : memref<128xi32, #tpu.memory_space<vmem>>) semaphore(%arg7 : memref<!tpu.dma_semaphore, #tpu.memory_space<semaphore_mem>>)
    %dma_start3A_115 = arith.constant 512 : i32
    %dma_start3A_116 = arith.constant 0 : i32
    %dma_start3A_117 = tpu.memref_slice %arg6[%dma_start3A_115, %dma_start3A_116] : memref<640x128xf32, #tpu.memory_space<vmem>> -> memref<128x128xf32, #tpu.memory_space<vmem>>
    %dma_start3A_118 = arith.constant 1152 : i32
    %dma_start3A_119 = tpu.memref_slice %arg5[%dma_start3A_118] : memref<2560xi32, #tpu.memory_space<vmem>> -> memref<128xi32, #tpu.memory_space<vmem>>
    %dma_start3A_120 = arith.constant 0 : i32
    %dma_start3A_121 = arith.constant 0 : i32
    %dma_start3A_122 = tpu.memref_slice %arg2[%dma_start3A_120, %dma_start3A_121] : memref<100000x128xf32, #tpu.memory_space<hbm>> -> memref<100000x128xf32, #tpu.memory_space<hbm>>
    tpu.enqueue_indirect_dma source(%dma_start3A_122 : memref<100000x128xf32, #tpu.memory_space<hbm>>) target(%dma_start3A_117 : memref<128x128xf32, #tpu.memory_space<vmem>>) offsets(%dma_start3A_119 : memref<128xi32, #tpu.memory_space<vmem>>) semaphore(%arg7 : memref<!tpu.dma_semaphore, #tpu.memory_space<semaphore_mem>>)
    %dma_wait3A_123 = arith.constant 0 : i32
    %dma_wait3A_124 = arith.constant 0 : i32
    %dma_wait3A_125 = tpu.memref_slice %arg6[%dma_wait3A_123, %dma_wait3A_124] : memref<640x128xf32, #tpu.memory_space<vmem>> -> memref<128x128xf32, #tpu.memory_space<vmem>>
    %dma_wait3A_126 = arith.constant 640 : i32
    %dma_wait3A_127 = tpu.memref_slice %arg5[%dma_wait3A_126] : memref<2560xi32, #tpu.memory_space<vmem>> -> memref<128xi32, #tpu.memory_space<vmem>>
    %dma_wait3A_128 = arith.constant 0 : i32
    %dma_wait3A_129 = arith.constant 0 : i32
    %dma_wait3A_130 = tpu.memref_slice %arg2[%dma_wait3A_128, %dma_wait3A_129] : memref<100000x128xf32, #tpu.memory_space<hbm>> -> memref<100000x128xf32, #tpu.memory_space<hbm>>
    tpu.wait_indirect_dma semaphore(%arg7 : memref<!tpu.dma_semaphore, #tpu.memory_space<semaphore_mem>>) src(%dma_wait3A_130 : memref<100000x128xf32, #tpu.memory_space<hbm>>) dst(%dma_wait3A_125 : memref<128x128xf32, #tpu.memory_space<vmem>>)
    %dma_wait3A_131 = arith.constant 128 : i32
    %dma_wait3A_132 = arith.constant 0 : i32
    %dma_wait3A_133 = tpu.memref_slice %arg6[%dma_wait3A_131, %dma_wait3A_132] : memref<640x128xf32, #tpu.memory_space<vmem>> -> memref<128x128xf32, #tpu.memory_space<vmem>>
    %dma_wait3A_134 = arith.constant 768 : i32
    %dma_wait3A_135 = tpu.memref_slice %arg5[%dma_wait3A_134] : memref<2560xi32, #tpu.memory_space<vmem>> -> memref<128xi32, #tpu.memory_space<vmem>>
    %dma_wait3A_136 = arith.constant 0 : i32
    %dma_wait3A_137 = arith.constant 0 : i32
    %dma_wait3A_138 = tpu.memref_slice %arg2[%dma_wait3A_136, %dma_wait3A_137] : memref<100000x128xf32, #tpu.memory_space<hbm>> -> memref<100000x128xf32, #tpu.memory_space<hbm>>
    tpu.wait_indirect_dma semaphore(%arg7 : memref<!tpu.dma_semaphore, #tpu.memory_space<semaphore_mem>>) src(%dma_wait3A_138 : memref<100000x128xf32, #tpu.memory_space<hbm>>) dst(%dma_wait3A_133 : memref<128x128xf32, #tpu.memory_space<vmem>>)
    %dma_wait3A_139 = arith.constant 256 : i32
    %dma_wait3A_140 = arith.constant 0 : i32
    %dma_wait3A_141 = tpu.memref_slice %arg6[%dma_wait3A_139, %dma_wait3A_140] : memref<640x128xf32, #tpu.memory_space<vmem>> -> memref<128x128xf32, #tpu.memory_space<vmem>>
    %dma_wait3A_142 = arith.constant 896 : i32
    %dma_wait3A_143 = tpu.memref_slice %arg5[%dma_wait3A_142] : memref<2560xi32, #tpu.memory_space<vmem>> -> memref<128xi32, #tpu.memory_space<vmem>>
    %dma_wait3A_144 = arith.constant 0 : i32
    %dma_wait3A_145 = arith.constant 0 : i32
    %dma_wait3A_146 = tpu.memref_slice %arg2[%dma_wait3A_144, %dma_wait3A_145] : memref<100000x128xf32, #tpu.memory_space<hbm>> -> memref<100000x128xf32, #tpu.memory_space<hbm>>
    tpu.wait_indirect_dma semaphore(%arg7 : memref<!tpu.dma_semaphore, #tpu.memory_space<semaphore_mem>>) src(%dma_wait3A_146 : memref<100000x128xf32, #tpu.memory_space<hbm>>) dst(%dma_wait3A_141 : memref<128x128xf32, #tpu.memory_space<vmem>>)
    %dma_wait3A_147 = arith.constant 384 : i32
    %dma_wait3A_148 = arith.constant 0 : i32
    %dma_wait3A_149 = tpu.memref_slice %arg6[%dma_wait3A_147, %dma_wait3A_148] : memref<640x128xf32, #tpu.memory_space<vmem>> -> memref<128x128xf32, #tpu.memory_space<vmem>>
    %dma_wait3A_150 = arith.constant 1024 : i32
    %dma_wait3A_151 = tpu.memref_slice %arg5[%dma_wait3A_150] : memref<2560xi32, #tpu.memory_space<vmem>> -> memref<128xi32, #tpu.memory_space<vmem>>
    %dma_wait3A_152 = arith.constant 0 : i32
    %dma_wait3A_153 = arith.constant 0 : i32
    %dma_wait3A_154 = tpu.memref_slice %arg2[%dma_wait3A_152, %dma_wait3A_153] : memref<100000x128xf32, #tpu.memory_space<hbm>> -> memref<100000x128xf32, #tpu.memory_space<hbm>>
    tpu.wait_indirect_dma semaphore(%arg7 : memref<!tpu.dma_semaphore, #tpu.memory_space<semaphore_mem>>) src(%dma_wait3A_154 : memref<100000x128xf32, #tpu.memory_space<hbm>>) dst(%dma_wait3A_149 : memref<128x128xf32, #tpu.memory_space<vmem>>)
    %dma_wait3A_155 = arith.constant 512 : i32
    %dma_wait3A_156 = arith.constant 0 : i32
    %dma_wait3A_157 = tpu.memref_slice %arg6[%dma_wait3A_155, %dma_wait3A_156] : memref<640x128xf32, #tpu.memory_space<vmem>> -> memref<128x128xf32, #tpu.memory_space<vmem>>
    %dma_wait3A_158 = arith.constant 1152 : i32
    %dma_wait3A_159 = tpu.memref_slice %arg5[%dma_wait3A_158] : memref<2560xi32, #tpu.memory_space<vmem>> -> memref<128xi32, #tpu.memory_space<vmem>>
    %dma_wait3A_160 = arith.constant 0 : i32
    %dma_wait3A_161 = arith.constant 0 : i32
    %dma_wait3A_162 = tpu.memref_slice %arg2[%dma_wait3A_160, %dma_wait3A_161] : memref<100000x128xf32, #tpu.memory_space<hbm>> -> memref<100000x128xf32, #tpu.memory_space<hbm>>
    tpu.wait_indirect_dma semaphore(%arg7 : memref<!tpu.dma_semaphore, #tpu.memory_space<semaphore_mem>>) src(%dma_wait3A_162 : memref<100000x128xf32, #tpu.memory_space<hbm>>) dst(%dma_wait3A_157 : memref<128x128xf32, #tpu.memory_space<vmem>>)
    %add3A_163 = arith.constant 640 : i32
    %add3A_164 = arith.addi %mul3A_2, %add3A_163 : i32
    "tpu.region"() ({
      %run_scoped3A = tpu.sem_alloc : memref<!tpu.dma_semaphore, #tpu.memory_space<semaphore_mem>>
      %dma_start3A_329 = arith.constant 0 : i32
      %dma_start3A_330 = tpu.memref_slice %arg4[%add3A_164, %dma_start3A_329] : memref<81920x128xf32, #tpu.memory_space<hbm>> -> memref<640x128xf32, #tpu.memory_space<hbm>>
      %dma_start3A_331 = arith.constant 0 : i32
      %dma_start3A_332 = tpu.memref_slice %arg4[%add3A_164, %dma_start3A_331] : memref<81920x128xf32, #tpu.memory_space<hbm>> -> memref<640x128xf32, #tpu.memory_space<hbm>>
      tpu.enqueue_dma source(%arg6 : memref<640x128xf32, #tpu.memory_space<vmem>>) target(%dma_start3A_332 : memref<640x128xf32, #tpu.memory_space<hbm>>) target_semaphore(%run_scoped3A : memref<!tpu.dma_semaphore, #tpu.memory_space<semaphore_mem>>)
      %dma_wait3A_333 = arith.constant 0 : i32
      %dma_wait3A_334 = tpu.memref_slice %arg4[%add3A_164, %dma_wait3A_333] : memref<81920x128xf32, #tpu.memory_space<hbm>> -> memref<640x128xf32, #tpu.memory_space<hbm>>
      %dma_wait3A_335 = arith.constant 0 : i32
      %dma_wait3A_336 = tpu.memref_slice %arg4[%add3A_164, %dma_wait3A_335] : memref<81920x128xf32, #tpu.memory_space<hbm>> -> memref<640x128xf32, #tpu.memory_space<hbm>>
      tpu.wait_dma2 semaphore(%run_scoped3A : memref<!tpu.dma_semaphore, #tpu.memory_space<semaphore_mem>>) src(%arg6 : memref<640x128xf32, #tpu.memory_space<vmem>>) dst(%dma_wait3A_336 : memref<640x128xf32, #tpu.memory_space<hbm>>)
      tpu.yield
    }) : () -> ()
    %dma_start3A_165 = arith.constant 0 : i32
    %dma_start3A_166 = arith.constant 0 : i32
    %dma_start3A_167 = tpu.memref_slice %arg6[%dma_start3A_165, %dma_start3A_166] : memref<640x128xf32, #tpu.memory_space<vmem>> -> memref<128x128xf32, #tpu.memory_space<vmem>>
    %dma_start3A_168 = arith.constant 1280 : i32
    %dma_start3A_169 = tpu.memref_slice %arg5[%dma_start3A_168] : memref<2560xi32, #tpu.memory_space<vmem>> -> memref<128xi32, #tpu.memory_space<vmem>>
    %dma_start3A_170 = arith.constant 0 : i32
    %dma_start3A_171 = arith.constant 0 : i32
    %dma_start3A_172 = tpu.memref_slice %arg2[%dma_start3A_170, %dma_start3A_171] : memref<100000x128xf32, #tpu.memory_space<hbm>> -> memref<100000x128xf32, #tpu.memory_space<hbm>>
    tpu.enqueue_indirect_dma source(%dma_start3A_172 : memref<100000x128xf32, #tpu.memory_space<hbm>>) target(%dma_start3A_167 : memref<128x128xf32, #tpu.memory_space<vmem>>) offsets(%dma_start3A_169 : memref<128xi32, #tpu.memory_space<vmem>>) semaphore(%arg7 : memref<!tpu.dma_semaphore, #tpu.memory_space<semaphore_mem>>)
    %dma_start3A_173 = arith.constant 128 : i32
    %dma_start3A_174 = arith.constant 0 : i32
    %dma_start3A_175 = tpu.memref_slice %arg6[%dma_start3A_173, %dma_start3A_174] : memref<640x128xf32, #tpu.memory_space<vmem>> -> memref<128x128xf32, #tpu.memory_space<vmem>>
    %dma_start3A_176 = arith.constant 1408 : i32
    %dma_start3A_177 = tpu.memref_slice %arg5[%dma_start3A_176] : memref<2560xi32, #tpu.memory_space<vmem>> -> memref<128xi32, #tpu.memory_space<vmem>>
    %dma_start3A_178 = arith.constant 0 : i32
    %dma_start3A_179 = arith.constant 0 : i32
    %dma_start3A_180 = tpu.memref_slice %arg2[%dma_start3A_178, %dma_start3A_179] : memref<100000x128xf32, #tpu.memory_space<hbm>> -> memref<100000x128xf32, #tpu.memory_space<hbm>>
    tpu.enqueue_indirect_dma source(%dma_start3A_180 : memref<100000x128xf32, #tpu.memory_space<hbm>>) target(%dma_start3A_175 : memref<128x128xf32, #tpu.memory_space<vmem>>) offsets(%dma_start3A_177 : memref<128xi32, #tpu.memory_space<vmem>>) semaphore(%arg7 : memref<!tpu.dma_semaphore, #tpu.memory_space<semaphore_mem>>)
    %dma_start3A_181 = arith.constant 256 : i32
    %dma_start3A_182 = arith.constant 0 : i32
    %dma_start3A_183 = tpu.memref_slice %arg6[%dma_start3A_181, %dma_start3A_182] : memref<640x128xf32, #tpu.memory_space<vmem>> -> memref<128x128xf32, #tpu.memory_space<vmem>>
    %dma_start3A_184 = arith.constant 1536 : i32
    %dma_start3A_185 = tpu.memref_slice %arg5[%dma_start3A_184] : memref<2560xi32, #tpu.memory_space<vmem>> -> memref<128xi32, #tpu.memory_space<vmem>>
    %dma_start3A_186 = arith.constant 0 : i32
    %dma_start3A_187 = arith.constant 0 : i32
    %dma_start3A_188 = tpu.memref_slice %arg2[%dma_start3A_186, %dma_start3A_187] : memref<100000x128xf32, #tpu.memory_space<hbm>> -> memref<100000x128xf32, #tpu.memory_space<hbm>>
    tpu.enqueue_indirect_dma source(%dma_start3A_188 : memref<100000x128xf32, #tpu.memory_space<hbm>>) target(%dma_start3A_183 : memref<128x128xf32, #tpu.memory_space<vmem>>) offsets(%dma_start3A_185 : memref<128xi32, #tpu.memory_space<vmem>>) semaphore(%arg7 : memref<!tpu.dma_semaphore, #tpu.memory_space<semaphore_mem>>)
    %dma_start3A_189 = arith.constant 384 : i32
    %dma_start3A_190 = arith.constant 0 : i32
    %dma_start3A_191 = tpu.memref_slice %arg6[%dma_start3A_189, %dma_start3A_190] : memref<640x128xf32, #tpu.memory_space<vmem>> -> memref<128x128xf32, #tpu.memory_space<vmem>>
    %dma_start3A_192 = arith.constant 1664 : i32
    %dma_start3A_193 = tpu.memref_slice %arg5[%dma_start3A_192] : memref<2560xi32, #tpu.memory_space<vmem>> -> memref<128xi32, #tpu.memory_space<vmem>>
    %dma_start3A_194 = arith.constant 0 : i32
    %dma_start3A_195 = arith.constant 0 : i32
    %dma_start3A_196 = tpu.memref_slice %arg2[%dma_start3A_194, %dma_start3A_195] : memref<100000x128xf32, #tpu.memory_space<hbm>> -> memref<100000x128xf32, #tpu.memory_space<hbm>>
    tpu.enqueue_indirect_dma source(%dma_start3A_196 : memref<100000x128xf32, #tpu.memory_space<hbm>>) target(%dma_start3A_191 : memref<128x128xf32, #tpu.memory_space<vmem>>) offsets(%dma_start3A_193 : memref<128xi32, #tpu.memory_space<vmem>>) semaphore(%arg7 : memref<!tpu.dma_semaphore, #tpu.memory_space<semaphore_mem>>)
    %dma_start3A_197 = arith.constant 512 : i32
    %dma_start3A_198 = arith.constant 0 : i32
    %dma_start3A_199 = tpu.memref_slice %arg6[%dma_start3A_197, %dma_start3A_198] : memref<640x128xf32, #tpu.memory_space<vmem>> -> memref<128x128xf32, #tpu.memory_space<vmem>>
    %dma_start3A_200 = arith.constant 1792 : i32
    %dma_start3A_201 = tpu.memref_slice %arg5[%dma_start3A_200] : memref<2560xi32, #tpu.memory_space<vmem>> -> memref<128xi32, #tpu.memory_space<vmem>>
    %dma_start3A_202 = arith.constant 0 : i32
    %dma_start3A_203 = arith.constant 0 : i32
    %dma_start3A_204 = tpu.memref_slice %arg2[%dma_start3A_202, %dma_start3A_203] : memref<100000x128xf32, #tpu.memory_space<hbm>> -> memref<100000x128xf32, #tpu.memory_space<hbm>>
    tpu.enqueue_indirect_dma source(%dma_start3A_204 : memref<100000x128xf32, #tpu.memory_space<hbm>>) target(%dma_start3A_199 : memref<128x128xf32, #tpu.memory_space<vmem>>) offsets(%dma_start3A_201 : memref<128xi32, #tpu.memory_space<vmem>>) semaphore(%arg7 : memref<!tpu.dma_semaphore, #tpu.memory_space<semaphore_mem>>)
    %dma_wait3A_205 = arith.constant 0 : i32
    %dma_wait3A_206 = arith.constant 0 : i32
    %dma_wait3A_207 = tpu.memref_slice %arg6[%dma_wait3A_205, %dma_wait3A_206] : memref<640x128xf32, #tpu.memory_space<vmem>> -> memref<128x128xf32, #tpu.memory_space<vmem>>
    %dma_wait3A_208 = arith.constant 1280 : i32
    %dma_wait3A_209 = tpu.memref_slice %arg5[%dma_wait3A_208] : memref<2560xi32, #tpu.memory_space<vmem>> -> memref<128xi32, #tpu.memory_space<vmem>>
    %dma_wait3A_210 = arith.constant 0 : i32
    %dma_wait3A_211 = arith.constant 0 : i32
    %dma_wait3A_212 = tpu.memref_slice %arg2[%dma_wait3A_210, %dma_wait3A_211] : memref<100000x128xf32, #tpu.memory_space<hbm>> -> memref<100000x128xf32, #tpu.memory_space<hbm>>
    tpu.wait_indirect_dma semaphore(%arg7 : memref<!tpu.dma_semaphore, #tpu.memory_space<semaphore_mem>>) src(%dma_wait3A_212 : memref<100000x128xf32, #tpu.memory_space<hbm>>) dst(%dma_wait3A_207 : memref<128x128xf32, #tpu.memory_space<vmem>>)
    %dma_wait3A_213 = arith.constant 128 : i32
    %dma_wait3A_214 = arith.constant 0 : i32
    %dma_wait3A_215 = tpu.memref_slice %arg6[%dma_wait3A_213, %dma_wait3A_214] : memref<640x128xf32, #tpu.memory_space<vmem>> -> memref<128x128xf32, #tpu.memory_space<vmem>>
    %dma_wait3A_216 = arith.constant 1408 : i32
    %dma_wait3A_217 = tpu.memref_slice %arg5[%dma_wait3A_216] : memref<2560xi32, #tpu.memory_space<vmem>> -> memref<128xi32, #tpu.memory_space<vmem>>
    %dma_wait3A_218 = arith.constant 0 : i32
    %dma_wait3A_219 = arith.constant 0 : i32
    %dma_wait3A_220 = tpu.memref_slice %arg2[%dma_wait3A_218, %dma_wait3A_219] : memref<100000x128xf32, #tpu.memory_space<hbm>> -> memref<100000x128xf32, #tpu.memory_space<hbm>>
    tpu.wait_indirect_dma semaphore(%arg7 : memref<!tpu.dma_semaphore, #tpu.memory_space<semaphore_mem>>) src(%dma_wait3A_220 : memref<100000x128xf32, #tpu.memory_space<hbm>>) dst(%dma_wait3A_215 : memref<128x128xf32, #tpu.memory_space<vmem>>)
    %dma_wait3A_221 = arith.constant 256 : i32
    %dma_wait3A_222 = arith.constant 0 : i32
    %dma_wait3A_223 = tpu.memref_slice %arg6[%dma_wait3A_221, %dma_wait3A_222] : memref<640x128xf32, #tpu.memory_space<vmem>> -> memref<128x128xf32, #tpu.memory_space<vmem>>
    %dma_wait3A_224 = arith.constant 1536 : i32
    %dma_wait3A_225 = tpu.memref_slice %arg5[%dma_wait3A_224] : memref<2560xi32, #tpu.memory_space<vmem>> -> memref<128xi32, #tpu.memory_space<vmem>>
    %dma_wait3A_226 = arith.constant 0 : i32
    %dma_wait3A_227 = arith.constant 0 : i32
    %dma_wait3A_228 = tpu.memref_slice %arg2[%dma_wait3A_226, %dma_wait3A_227] : memref<100000x128xf32, #tpu.memory_space<hbm>> -> memref<100000x128xf32, #tpu.memory_space<hbm>>
    tpu.wait_indirect_dma semaphore(%arg7 : memref<!tpu.dma_semaphore, #tpu.memory_space<semaphore_mem>>) src(%dma_wait3A_228 : memref<100000x128xf32, #tpu.memory_space<hbm>>) dst(%dma_wait3A_223 : memref<128x128xf32, #tpu.memory_space<vmem>>)
    %dma_wait3A_229 = arith.constant 384 : i32
    %dma_wait3A_230 = arith.constant 0 : i32
    %dma_wait3A_231 = tpu.memref_slice %arg6[%dma_wait3A_229, %dma_wait3A_230] : memref<640x128xf32, #tpu.memory_space<vmem>> -> memref<128x128xf32, #tpu.memory_space<vmem>>
    %dma_wait3A_232 = arith.constant 1664 : i32
    %dma_wait3A_233 = tpu.memref_slice %arg5[%dma_wait3A_232] : memref<2560xi32, #tpu.memory_space<vmem>> -> memref<128xi32, #tpu.memory_space<vmem>>
    %dma_wait3A_234 = arith.constant 0 : i32
    %dma_wait3A_235 = arith.constant 0 : i32
    %dma_wait3A_236 = tpu.memref_slice %arg2[%dma_wait3A_234, %dma_wait3A_235] : memref<100000x128xf32, #tpu.memory_space<hbm>> -> memref<100000x128xf32, #tpu.memory_space<hbm>>
    tpu.wait_indirect_dma semaphore(%arg7 : memref<!tpu.dma_semaphore, #tpu.memory_space<semaphore_mem>>) src(%dma_wait3A_236 : memref<100000x128xf32, #tpu.memory_space<hbm>>) dst(%dma_wait3A_231 : memref<128x128xf32, #tpu.memory_space<vmem>>)
    %dma_wait3A_237 = arith.constant 512 : i32
    %dma_wait3A_238 = arith.constant 0 : i32
    %dma_wait3A_239 = tpu.memref_slice %arg6[%dma_wait3A_237, %dma_wait3A_238] : memref<640x128xf32, #tpu.memory_space<vmem>> -> memref<128x128xf32, #tpu.memory_space<vmem>>
    %dma_wait3A_240 = arith.constant 1792 : i32
    %dma_wait3A_241 = tpu.memref_slice %arg5[%dma_wait3A_240] : memref<2560xi32, #tpu.memory_space<vmem>> -> memref<128xi32, #tpu.memory_space<vmem>>
    %dma_wait3A_242 = arith.constant 0 : i32
    %dma_wait3A_243 = arith.constant 0 : i32
    %dma_wait3A_244 = tpu.memref_slice %arg2[%dma_wait3A_242, %dma_wait3A_243] : memref<100000x128xf32, #tpu.memory_space<hbm>> -> memref<100000x128xf32, #tpu.memory_space<hbm>>
    tpu.wait_indirect_dma semaphore(%arg7 : memref<!tpu.dma_semaphore, #tpu.memory_space<semaphore_mem>>) src(%dma_wait3A_244 : memref<100000x128xf32, #tpu.memory_space<hbm>>) dst(%dma_wait3A_239 : memref<128x128xf32, #tpu.memory_space<vmem>>)
    %add3A_245 = arith.constant 1280 : i32
    %add3A_246 = arith.addi %mul3A_2, %add3A_245 : i32
    "tpu.region"() ({
      %run_scoped3A = tpu.sem_alloc : memref<!tpu.dma_semaphore, #tpu.memory_space<semaphore_mem>>
      %dma_start3A_329 = arith.constant 0 : i32
      %dma_start3A_330 = tpu.memref_slice %arg4[%add3A_246, %dma_start3A_329] : memref<81920x128xf32, #tpu.memory_space<hbm>> -> memref<640x128xf32, #tpu.memory_space<hbm>>
      %dma_start3A_331 = arith.constant 0 : i32
      %dma_start3A_332 = tpu.memref_slice %arg4[%add3A_246, %dma_start3A_331] : memref<81920x128xf32, #tpu.memory_space<hbm>> -> memref<640x128xf32, #tpu.memory_space<hbm>>
      tpu.enqueue_dma source(%arg6 : memref<640x128xf32, #tpu.memory_space<vmem>>) target(%dma_start3A_332 : memref<640x128xf32, #tpu.memory_space<hbm>>) target_semaphore(%run_scoped3A : memref<!tpu.dma_semaphore, #tpu.memory_space<semaphore_mem>>)
      %dma_wait3A_333 = arith.constant 0 : i32
      %dma_wait3A_334 = tpu.memref_slice %arg4[%add3A_246, %dma_wait3A_333] : memref<81920x128xf32, #tpu.memory_space<hbm>> -> memref<640x128xf32, #tpu.memory_space<hbm>>
      %dma_wait3A_335 = arith.constant 0 : i32
      %dma_wait3A_336 = tpu.memref_slice %arg4[%add3A_246, %dma_wait3A_335] : memref<81920x128xf32, #tpu.memory_space<hbm>> -> memref<640x128xf32, #tpu.memory_space<hbm>>
      tpu.wait_dma2 semaphore(%run_scoped3A : memref<!tpu.dma_semaphore, #tpu.memory_space<semaphore_mem>>) src(%arg6 : memref<640x128xf32, #tpu.memory_space<vmem>>) dst(%dma_wait3A_336 : memref<640x128xf32, #tpu.memory_space<hbm>>)
      tpu.yield
    }) : () -> ()
    %dma_start3A_247 = arith.constant 0 : i32
    %dma_start3A_248 = arith.constant 0 : i32
    %dma_start3A_249 = tpu.memref_slice %arg6[%dma_start3A_247, %dma_start3A_248] : memref<640x128xf32, #tpu.memory_space<vmem>> -> memref<128x128xf32, #tpu.memory_space<vmem>>
    %dma_start3A_250 = arith.constant 1920 : i32
    %dma_start3A_251 = tpu.memref_slice %arg5[%dma_start3A_250] : memref<2560xi32, #tpu.memory_space<vmem>> -> memref<128xi32, #tpu.memory_space<vmem>>
    %dma_start3A_252 = arith.constant 0 : i32
    %dma_start3A_253 = arith.constant 0 : i32
    %dma_start3A_254 = tpu.memref_slice %arg2[%dma_start3A_252, %dma_start3A_253] : memref<100000x128xf32, #tpu.memory_space<hbm>> -> memref<100000x128xf32, #tpu.memory_space<hbm>>
    tpu.enqueue_indirect_dma source(%dma_start3A_254 : memref<100000x128xf32, #tpu.memory_space<hbm>>) target(%dma_start3A_249 : memref<128x128xf32, #tpu.memory_space<vmem>>) offsets(%dma_start3A_251 : memref<128xi32, #tpu.memory_space<vmem>>) semaphore(%arg7 : memref<!tpu.dma_semaphore, #tpu.memory_space<semaphore_mem>>)
    %dma_start3A_255 = arith.constant 128 : i32
    %dma_start3A_256 = arith.constant 0 : i32
    %dma_start3A_257 = tpu.memref_slice %arg6[%dma_start3A_255, %dma_start3A_256] : memref<640x128xf32, #tpu.memory_space<vmem>> -> memref<128x128xf32, #tpu.memory_space<vmem>>
    %dma_start3A_258 = arith.constant 2048 : i32
    %dma_start3A_259 = tpu.memref_slice %arg5[%dma_start3A_258] : memref<2560xi32, #tpu.memory_space<vmem>> -> memref<128xi32, #tpu.memory_space<vmem>>
    %dma_start3A_260 = arith.constant 0 : i32
    %dma_start3A_261 = arith.constant 0 : i32
    %dma_start3A_262 = tpu.memref_slice %arg2[%dma_start3A_260, %dma_start3A_261] : memref<100000x128xf32, #tpu.memory_space<hbm>> -> memref<100000x128xf32, #tpu.memory_space<hbm>>
    tpu.enqueue_indirect_dma source(%dma_start3A_262 : memref<100000x128xf32, #tpu.memory_space<hbm>>) target(%dma_start3A_257 : memref<128x128xf32, #tpu.memory_space<vmem>>) offsets(%dma_start3A_259 : memref<128xi32, #tpu.memory_space<vmem>>) semaphore(%arg7 : memref<!tpu.dma_semaphore, #tpu.memory_space<semaphore_mem>>)
    %dma_start3A_263 = arith.constant 256 : i32
    %dma_start3A_264 = arith.constant 0 : i32
    %dma_start3A_265 = tpu.memref_slice %arg6[%dma_start3A_263, %dma_start3A_264] : memref<640x128xf32, #tpu.memory_space<vmem>> -> memref<128x128xf32, #tpu.memory_space<vmem>>
    %dma_start3A_266 = arith.constant 2176 : i32
    %dma_start3A_267 = tpu.memref_slice %arg5[%dma_start3A_266] : memref<2560xi32, #tpu.memory_space<vmem>> -> memref<128xi32, #tpu.memory_space<vmem>>
    %dma_start3A_268 = arith.constant 0 : i32
    %dma_start3A_269 = arith.constant 0 : i32
    %dma_start3A_270 = tpu.memref_slice %arg2[%dma_start3A_268, %dma_start3A_269] : memref<100000x128xf32, #tpu.memory_space<hbm>> -> memref<100000x128xf32, #tpu.memory_space<hbm>>
    tpu.enqueue_indirect_dma source(%dma_start3A_270 : memref<100000x128xf32, #tpu.memory_space<hbm>>) target(%dma_start3A_265 : memref<128x128xf32, #tpu.memory_space<vmem>>) offsets(%dma_start3A_267 : memref<128xi32, #tpu.memory_space<vmem>>) semaphore(%arg7 : memref<!tpu.dma_semaphore, #tpu.memory_space<semaphore_mem>>)
    %dma_start3A_271 = arith.constant 384 : i32
    %dma_start3A_272 = arith.constant 0 : i32
    %dma_start3A_273 = tpu.memref_slice %arg6[%dma_start3A_271, %dma_start3A_272] : memref<640x128xf32, #tpu.memory_space<vmem>> -> memref<128x128xf32, #tpu.memory_space<vmem>>
    %dma_start3A_274 = arith.constant 2304 : i32
    %dma_start3A_275 = tpu.memref_slice %arg5[%dma_start3A_274] : memref<2560xi32, #tpu.memory_space<vmem>> -> memref<128xi32, #tpu.memory_space<vmem>>
    %dma_start3A_276 = arith.constant 0 : i32
    %dma_start3A_277 = arith.constant 0 : i32
    %dma_start3A_278 = tpu.memref_slice %arg2[%dma_start3A_276, %dma_start3A_277] : memref<100000x128xf32, #tpu.memory_space<hbm>> -> memref<100000x128xf32, #tpu.memory_space<hbm>>
    tpu.enqueue_indirect_dma source(%dma_start3A_278 : memref<100000x128xf32, #tpu.memory_space<hbm>>) target(%dma_start3A_273 : memref<128x128xf32, #tpu.memory_space<vmem>>) offsets(%dma_start3A_275 : memref<128xi32, #tpu.memory_space<vmem>>) semaphore(%arg7 : memref<!tpu.dma_semaphore, #tpu.memory_space<semaphore_mem>>)
    %dma_start3A_279 = arith.constant 512 : i32
    %dma_start3A_280 = arith.constant 0 : i32
    %dma_start3A_281 = tpu.memref_slice %arg6[%dma_start3A_279, %dma_start3A_280] : memref<640x128xf32, #tpu.memory_space<vmem>> -> memref<128x128xf32, #tpu.memory_space<vmem>>
    %dma_start3A_282 = arith.constant 2432 : i32
    %dma_start3A_283 = tpu.memref_slice %arg5[%dma_start3A_282] : memref<2560xi32, #tpu.memory_space<vmem>> -> memref<128xi32, #tpu.memory_space<vmem>>
    %dma_start3A_284 = arith.constant 0 : i32
    %dma_start3A_285 = arith.constant 0 : i32
    %dma_start3A_286 = tpu.memref_slice %arg2[%dma_start3A_284, %dma_start3A_285] : memref<100000x128xf32, #tpu.memory_space<hbm>> -> memref<100000x128xf32, #tpu.memory_space<hbm>>
    tpu.enqueue_indirect_dma source(%dma_start3A_286 : memref<100000x128xf32, #tpu.memory_space<hbm>>) target(%dma_start3A_281 : memref<128x128xf32, #tpu.memory_space<vmem>>) offsets(%dma_start3A_283 : memref<128xi32, #tpu.memory_space<vmem>>) semaphore(%arg7 : memref<!tpu.dma_semaphore, #tpu.memory_space<semaphore_mem>>)
    %dma_wait3A_287 = arith.constant 0 : i32
    %dma_wait3A_288 = arith.constant 0 : i32
    %dma_wait3A_289 = tpu.memref_slice %arg6[%dma_wait3A_287, %dma_wait3A_288] : memref<640x128xf32, #tpu.memory_space<vmem>> -> memref<128x128xf32, #tpu.memory_space<vmem>>
    %dma_wait3A_290 = arith.constant 1920 : i32
    %dma_wait3A_291 = tpu.memref_slice %arg5[%dma_wait3A_290] : memref<2560xi32, #tpu.memory_space<vmem>> -> memref<128xi32, #tpu.memory_space<vmem>>
    %dma_wait3A_292 = arith.constant 0 : i32
    %dma_wait3A_293 = arith.constant 0 : i32
    %dma_wait3A_294 = tpu.memref_slice %arg2[%dma_wait3A_292, %dma_wait3A_293] : memref<100000x128xf32, #tpu.memory_space<hbm>> -> memref<100000x128xf32, #tpu.memory_space<hbm>>
    tpu.wait_indirect_dma semaphore(%arg7 : memref<!tpu.dma_semaphore, #tpu.memory_space<semaphore_mem>>) src(%dma_wait3A_294 : memref<100000x128xf32, #tpu.memory_space<hbm>>) dst(%dma_wait3A_289 : memref<128x128xf32, #tpu.memory_space<vmem>>)
    %dma_wait3A_295 = arith.constant 128 : i32
    %dma_wait3A_296 = arith.constant 0 : i32
    %dma_wait3A_297 = tpu.memref_slice %arg6[%dma_wait3A_295, %dma_wait3A_296] : memref<640x128xf32, #tpu.memory_space<vmem>> -> memref<128x128xf32, #tpu.memory_space<vmem>>
    %dma_wait3A_298 = arith.constant 2048 : i32
    %dma_wait3A_299 = tpu.memref_slice %arg5[%dma_wait3A_298] : memref<2560xi32, #tpu.memory_space<vmem>> -> memref<128xi32, #tpu.memory_space<vmem>>
    %dma_wait3A_300 = arith.constant 0 : i32
    %dma_wait3A_301 = arith.constant 0 : i32
    %dma_wait3A_302 = tpu.memref_slice %arg2[%dma_wait3A_300, %dma_wait3A_301] : memref<100000x128xf32, #tpu.memory_space<hbm>> -> memref<100000x128xf32, #tpu.memory_space<hbm>>
    tpu.wait_indirect_dma semaphore(%arg7 : memref<!tpu.dma_semaphore, #tpu.memory_space<semaphore_mem>>) src(%dma_wait3A_302 : memref<100000x128xf32, #tpu.memory_space<hbm>>) dst(%dma_wait3A_297 : memref<128x128xf32, #tpu.memory_space<vmem>>)
    %dma_wait3A_303 = arith.constant 256 : i32
    %dma_wait3A_304 = arith.constant 0 : i32
    %dma_wait3A_305 = tpu.memref_slice %arg6[%dma_wait3A_303, %dma_wait3A_304] : memref<640x128xf32, #tpu.memory_space<vmem>> -> memref<128x128xf32, #tpu.memory_space<vmem>>
    %dma_wait3A_306 = arith.constant 2176 : i32
    %dma_wait3A_307 = tpu.memref_slice %arg5[%dma_wait3A_306] : memref<2560xi32, #tpu.memory_space<vmem>> -> memref<128xi32, #tpu.memory_space<vmem>>
    %dma_wait3A_308 = arith.constant 0 : i32
    %dma_wait3A_309 = arith.constant 0 : i32
    %dma_wait3A_310 = tpu.memref_slice %arg2[%dma_wait3A_308, %dma_wait3A_309] : memref<100000x128xf32, #tpu.memory_space<hbm>> -> memref<100000x128xf32, #tpu.memory_space<hbm>>
    tpu.wait_indirect_dma semaphore(%arg7 : memref<!tpu.dma_semaphore, #tpu.memory_space<semaphore_mem>>) src(%dma_wait3A_310 : memref<100000x128xf32, #tpu.memory_space<hbm>>) dst(%dma_wait3A_305 : memref<128x128xf32, #tpu.memory_space<vmem>>)
    %dma_wait3A_311 = arith.constant 384 : i32
    %dma_wait3A_312 = arith.constant 0 : i32
    %dma_wait3A_313 = tpu.memref_slice %arg6[%dma_wait3A_311, %dma_wait3A_312] : memref<640x128xf32, #tpu.memory_space<vmem>> -> memref<128x128xf32, #tpu.memory_space<vmem>>
    %dma_wait3A_314 = arith.constant 2304 : i32
    %dma_wait3A_315 = tpu.memref_slice %arg5[%dma_wait3A_314] : memref<2560xi32, #tpu.memory_space<vmem>> -> memref<128xi32, #tpu.memory_space<vmem>>
    %dma_wait3A_316 = arith.constant 0 : i32
    %dma_wait3A_317 = arith.constant 0 : i32
    %dma_wait3A_318 = tpu.memref_slice %arg2[%dma_wait3A_316, %dma_wait3A_317] : memref<100000x128xf32, #tpu.memory_space<hbm>> -> memref<100000x128xf32, #tpu.memory_space<hbm>>
    tpu.wait_indirect_dma semaphore(%arg7 : memref<!tpu.dma_semaphore, #tpu.memory_space<semaphore_mem>>) src(%dma_wait3A_318 : memref<100000x128xf32, #tpu.memory_space<hbm>>) dst(%dma_wait3A_313 : memref<128x128xf32, #tpu.memory_space<vmem>>)
    %dma_wait3A_319 = arith.constant 512 : i32
    %dma_wait3A_320 = arith.constant 0 : i32
    %dma_wait3A_321 = tpu.memref_slice %arg6[%dma_wait3A_319, %dma_wait3A_320] : memref<640x128xf32, #tpu.memory_space<vmem>> -> memref<128x128xf32, #tpu.memory_space<vmem>>
    %dma_wait3A_322 = arith.constant 2432 : i32
    %dma_wait3A_323 = tpu.memref_slice %arg5[%dma_wait3A_322] : memref<2560xi32, #tpu.memory_space<vmem>> -> memref<128xi32, #tpu.memory_space<vmem>>
    %dma_wait3A_324 = arith.constant 0 : i32
    %dma_wait3A_325 = arith.constant 0 : i32
    %dma_wait3A_326 = tpu.memref_slice %arg2[%dma_wait3A_324, %dma_wait3A_325] : memref<100000x128xf32, #tpu.memory_space<hbm>> -> memref<100000x128xf32, #tpu.memory_space<hbm>>
    tpu.wait_indirect_dma semaphore(%arg7 : memref<!tpu.dma_semaphore, #tpu.memory_space<semaphore_mem>>) src(%dma_wait3A_326 : memref<100000x128xf32, #tpu.memory_space<hbm>>) dst(%dma_wait3A_321 : memref<128x128xf32, #tpu.memory_space<vmem>>)
    %add3A_327 = arith.constant 1920 : i32
    %add3A_328 = arith.addi %mul3A_2, %add3A_327 : i32
    "tpu.region"() ({
      %run_scoped3A = tpu.sem_alloc : memref<!tpu.dma_semaphore, #tpu.memory_space<semaphore_mem>>
      %dma_start3A_329 = arith.constant 0 : i32
      %dma_start3A_330 = tpu.memref_slice %arg4[%add3A_328, %dma_start3A_329] : memref<81920x128xf32, #tpu.memory_space<hbm>> -> memref<640x128xf32, #tpu.memory_space<hbm>>
      %dma_start3A_331 = arith.constant 0 : i32
      %dma_start3A_332 = tpu.memref_slice %arg4[%add3A_328, %dma_start3A_331] : memref<81920x128xf32, #tpu.memory_space<hbm>> -> memref<640x128xf32, #tpu.memory_space<hbm>>
      tpu.enqueue_dma source(%arg6 : memref<640x128xf32, #tpu.memory_space<vmem>>) target(%dma_start3A_332 : memref<640x128xf32, #tpu.memory_space<hbm>>) target_semaphore(%run_scoped3A : memref<!tpu.dma_semaphore, #tpu.memory_space<semaphore_mem>>)
      %dma_wait3A_333 = arith.constant 0 : i32
      %dma_wait3A_334 = tpu.memref_slice %arg4[%add3A_328, %dma_wait3A_333] : memref<81920x128xf32, #tpu.memory_space<hbm>> -> memref<640x128xf32, #tpu.memory_space<hbm>>
      %dma_wait3A_335 = arith.constant 0 : i32
      %dma_wait3A_336 = tpu.memref_slice %arg4[%add3A_328, %dma_wait3A_335] : memref<81920x128xf32, #tpu.memory_space<hbm>> -> memref<640x128xf32, #tpu.memory_space<hbm>>
      tpu.wait_dma2 semaphore(%run_scoped3A : memref<!tpu.dma_semaphore, #tpu.memory_space<semaphore_mem>>) src(%arg6 : memref<640x128xf32, #tpu.memory_space<vmem>>) dst(%dma_wait3A_336 : memref<640x128xf32, #tpu.memory_space<hbm>>)
      tpu.yield
    }) : () -> ()
    return
  }
}

module attributes {stable_mosaic.version = 14 : i64} {
  func.func @body(%arg0: i32, %arg1: memref<1024x2560xf32, #tpu.memory_space<vmem>>, %arg2: memref<2560x128xbf16, #tpu.memory_space<vmem>>, %arg3: memref<1x128xf32, #tpu.memory_space<vmem>>, %arg4: memref<1024x128xbf16, #tpu.memory_space<vmem>>) attributes {dimension_semantics = [#tpu.dimension_semantics<arbitrary>], iteration_bounds = array<i64: 4>, scalar_prefetch = 0 : i64, scratch_operands = 0 : i64, tpu.core_type = #tpu.core_type<tc>, window_params = [{transform_indices = @transform_0, window_bounds = array<i64: 1024, 2560>}, {pipeline_mode = #tpu.pipeline_mode<synchronous>, transform_indices = @transform_1, window_bounds = array<i64: 2560, 128>}, {pipeline_mode = #tpu.pipeline_mode<synchronous>, transform_indices = @transform_2, window_bounds = array<i64: 1, 128>}, {transform_indices = @transform_3, window_bounds = array<i64: 1024, 128>}]} {
    %get3A = arith.constant 0 : index
    %get3A_0 = arith.constant 0 : index
    %get3A_1 = vector.load %arg1[%get3A, %get3A_0] : memref<1024x2560xf32, #tpu.memory_space<vmem>>, vector<1024x2560xf32>
    %convert_element_type3A = arith.truncf %get3A_1 : vector<1024x2560xf32> to vector<1024x2560xbf16>
    %get3A_2 = arith.constant 0 : index
    %get3A_3 = arith.constant 0 : index
    %get3A_4 = vector.load %arg2[%get3A_2, %get3A_3] : memref<2560x128xbf16, #tpu.memory_space<vmem>>, vector<2560x128xbf16>
    %dot_general3A = arith.constant dense<0.000000e+00> : vector<1024x128xf32>
    %dot_general3A_5 = tpu.matmul %convert_element_type3A, %get3A_4, %dot_general3A {dimension_numbers = #tpu.dot_dimension_numbers<[1], [0], [0], [1], [0, 0, 1, 1], [], []>, transpose_lhs_hint = false} : vector<1024x2560xbf16>, vector<2560x128xbf16>, vector<1024x128xf32> -> vector<1024x128xf32>
    %get3A_6 = arith.constant 0 : index
    %get3A_7 = arith.constant 0 : index
    %get3A_8 = vector.load %arg3[%get3A_6, %get3A_7] : memref<1x128xf32, #tpu.memory_space<vmem>>, vector<1x128xf32>
    %add3A = vector.broadcast %get3A_8 : vector<1x128xf32> to vector<1024x128xf32>
    %add3A_9 = arith.addf %dot_general3A_5, %add3A : vector<1024x128xf32>
    %max3A = arith.constant 0.000000e+00 : f32
    %max3A_10 = vector.broadcast %max3A : f32 to vector<1024x128xf32>
    %max3A_11 = arith.maximumf %add3A_9, %max3A_10 : vector<1024x128xf32>
    %convert_element_type3A_12 = arith.truncf %max3A_11 : vector<1024x128xf32> to vector<1024x128xbf16>
    %swap3A = arith.constant 0 : index
    %swap3A_13 = arith.constant 0 : index
    %swap3A_14 = vector.load %arg4[%swap3A, %swap3A_13] : memref<1024x128xbf16, #tpu.memory_space<vmem>>, vector<1024x128xbf16>
    tpu.vector_store %arg4[%swap3A, %swap3A_13], %convert_element_type3A_12 {strides = array<i32>} : memref<1024x128xbf16, #tpu.memory_space<vmem>>, vector<1024x128xbf16>,
    return
  }
  func.func @transform_0(%arg0: i32) -> (i32, i32) {
    %c0_i32 = arith.constant 0 : i32
    %c0_i32_0 = arith.constant 0 : i32
    return %arg0, %c0_i32 : i32, i32
  }
  func.func @transform_1(%arg0: i32) -> (i32, i32) {
    %c0_i32 = arith.constant 0 : i32
    %c0_i32_0 = arith.constant 0 : i32
    %c0_i32_1 = arith.constant 0 : i32
    return %c0_i32, %c0_i32_0 : i32, i32
  }
  func.func @transform_2(%arg0: i32) -> (i32, i32) {
    %c0_i32 = arith.constant 0 : i32
    %c0_i32_0 = arith.constant 0 : i32
    %c0_i32_1 = arith.constant 0 : i32
    return %c0_i32, %c0_i32_0 : i32, i32
  }
  func.func @transform_3(%arg0: i32) -> (i32, i32) {
    %c0_i32 = arith.constant 0 : i32
    %c0_i32_0 = arith.constant 0 : i32
    return %arg0, %c0_i32 : i32, i32
  }
}

module attributes {stable_mosaic.version = 14 : i64} {
  func.func @body(%arg0: i32, %arg1: i32, %arg2: memref<1024x128xbf16, #tpu.memory_space<vmem>>, %arg3: memref<128x2048xbf16, #tpu.memory_space<vmem>>, %arg4: memref<1x2048xf32, #tpu.memory_space<vmem>>, %arg5: memref<1024x1xf32, #tpu.memory_space<vmem>>, %arg6: memref<4096x1xf32, #tpu.memory_space<vmem>>, %arg7: memref<4096x1xf32, #tpu.memory_space<vmem>>) attributes {dimension_semantics = [#tpu.dimension_semantics<arbitrary>, #tpu.dimension_semantics<arbitrary>], iteration_bounds = array<i64: 49, 4>, scalar_prefetch = 0 : i64, scratch_operands = 2 : i64, tpu.core_type = #tpu.core_type<tc>, window_params = [{transform_indices = @transform_0, window_bounds = array<i64: 1024, 128>}, {transform_indices = @transform_1, window_bounds = array<i64: 128, 2048>}, {transform_indices = @transform_2, window_bounds = array<i64: 1, 2048>}, {transform_indices = @transform_3, window_bounds = array<i64: 1024, 1>}]} {
    %get3A = arith.constant 0 : index
    %get3A_0 = arith.constant 0 : index
    %get3A_1 = vector.load %arg2[%get3A, %get3A_0] : memref<1024x128xbf16, #tpu.memory_space<vmem>>, vector<1024x128xbf16>
    %get3A_2 = arith.constant 0 : index
    %get3A_3 = arith.constant 0 : index
    %get3A_4 = vector.load %arg3[%get3A_2, %get3A_3] : memref<128x2048xbf16, #tpu.memory_space<vmem>>, vector<128x2048xbf16>
    %dot_general3A = arith.constant dense<0.000000e+00> : vector<1024x2048xf32>
    %dot_general3A_5 = tpu.matmul %get3A_1, %get3A_4, %dot_general3A {dimension_numbers = #tpu.dot_dimension_numbers<[1], [0], [0], [1], [0, 0, 1, 1], [], []>, transpose_lhs_hint = false} : vector<1024x128xbf16>, vector<128x2048xbf16>, vector<1024x2048xf32> -> vector<1024x2048xf32>
    %get3A_6 = arith.constant 0 : index
    %get3A_7 = arith.constant 0 : index
    %get3A_8 = vector.load %arg4[%get3A_6, %get3A_7] : memref<1x2048xf32, #tpu.memory_space<vmem>>, vector<1x2048xf32>
    %add3A = vector.broadcast %get3A_8 : vector<1x2048xf32> to vector<1024x2048xf32>
    %add3A_9 = arith.addf %dot_general3A_5, %add3A : vector<1024x2048xf32>
    %mul3A = arith.constant 2048 : i32
    %mul3A_10 = arith.muli %arg0, %mul3A : i32
    %iota3A = tpu.iota {dimensions = array<i32: 1>} : vector<1x2048xi32>
    %add3A_11 = vector.broadcast %mul3A_10 : i32 to vector<1x2048xi32>
    %add3A_12 = arith.addi %add3A_11, %iota3A : vector<1x2048xi32>
    %lt3A = arith.constant 100000 : i32
    %lt3A_13 = vector.broadcast %lt3A : i32 to vector<1x2048xi32>
    %lt3A_14 = arith.cmpi slt, %add3A_12, %lt3A_13 : vector<1x2048xi32>
    %jit3A = arith.constant 0xFF800000 : f32
    %broadcast_in_dim3A = vector.shape_cast %lt3A_14 : vector<1x2048xi1> to vector<1x2048xi1>
    %broadcast_in_dim3A_15 = vector.broadcast %broadcast_in_dim3A : vector<1x2048xi1> to vector<1024x2048xi1>
    %broadcast_in_dim3A_16 = vector.broadcast %jit3A : f32 to vector<1024x2048xf32>
    %select_n3A = arith.select %broadcast_in_dim3A_15, %add3A_9, %broadcast_in_dim3A_16 : vector<1024x2048xi1>, vector<1024x2048xf32>
    %mul3A_17 = arith.constant 1024 : i32
    %mul3A_18 = arith.muli %arg1, %mul3A_17 : i32
    %eq3A = arith.constant 0 : i32
    %eq3A_19 = arith.cmpi eq, %arg0, %eq3A : i32
    %convert_element_type3A = arith.extui %eq3A_19 : i1 to i32
    %cond3A = arith.constant 0 : i32
    %cond3A_20 = arith.cmpi ne, %convert_element_type3A, %cond3A : i32
    scf.if %cond3A_20 {
      %broadcast_in_dim3A_45 = arith.constant 0xFF800000 : f32
      %broadcast_in_dim3A_46 = vector.broadcast %broadcast_in_dim3A_45 : f32 to vector<1024x1xf32>
      %swap3A_47 = arith.index_cast %mul3A_18 : i32 to index
      %swap3A_48 = arith.constant 0 : index
      %swap3A_49 = vector.load %arg6[%swap3A_47, %swap3A_48] : memref<4096x1xf32, #tpu.memory_space<vmem>>, vector<1024x1xf32>
      tpu.vector_store %arg6[%swap3A_47, %swap3A_48], %broadcast_in_dim3A_46 {strides = array<i32>} : memref<4096x1xf32, #tpu.memory_space<vmem>>, vector<1024x1xf32>,
      %broadcast_in_dim3A_50 = arith.constant 0.000000e+00 : f32
      %broadcast_in_dim3A_51 = vector.broadcast %broadcast_in_dim3A_50 : f32 to vector<1024x1xf32>
      %swap3A_52 = arith.index_cast %mul3A_18 : i32 to index
      %swap3A_53 = arith.constant 0 : index
      %swap3A_54 = vector.load %arg7[%swap3A_52, %swap3A_53] : memref<4096x1xf32, #tpu.memory_space<vmem>>, vector<1024x1xf32>
      tpu.vector_store %arg7[%swap3A_52, %swap3A_53], %broadcast_in_dim3A_51 {strides = array<i32>} : memref<4096x1xf32, #tpu.memory_space<vmem>>, vector<1024x1xf32>,
    } else {
    }
    %get3A_21 = arith.index_cast %mul3A_18 : i32 to index
    %get3A_22 = arith.constant 0 : index
    %get3A_23 = vector.load %arg6[%get3A_21, %get3A_22] : memref<4096x1xf32, #tpu.memory_space<vmem>>, vector<1024x1xf32>
    %reduce_max3A = arith.constant dense<0xFF800000> : vector<1024xf32>
    %reduce_max3A_24 = vector.multi_reduction <maximumf>, %select_n3A, %reduce_max3A [1] : vector<1024x2048xf32> to vector<1024xf32>
    %broadcast_in_dim3A_25 = vector.shape_cast %reduce_max3A_24 : vector<1024xf32> to vector<1024x1xf32>
    %max3A = arith.maximumf %get3A_23, %broadcast_in_dim3A_25 : vector<1024x1xf32>
    %get3A_26 = arith.index_cast %mul3A_18 : i32 to index
    %get3A_27 = arith.constant 0 : index
    %get3A_28 = vector.load %arg7[%get3A_26, %get3A_27] : memref<4096x1xf32, #tpu.memory_space<vmem>>, vector<1024x1xf32>
    %sub3A = arith.subf %get3A_23, %max3A : vector<1024x1xf32>
    %exp3A = math.exp %sub3A : vector<1024x1xf32>
    %mul3A_29 = arith.mulf %get3A_28, %exp3A : vector<1024x1xf32>
    %sub3A_30 = vector.broadcast %max3A : vector<1024x1xf32> to vector<1024x2048xf32>
    %sub3A_31 = arith.subf %select_n3A, %sub3A_30 : vector<1024x2048xf32>
    %exp3A_32 = math.exp %sub3A_31 : vector<1024x2048xf32>
    %reduce_sum3A = arith.constant dense<0.000000e+00> : vector<1024xf32>
    %reduce_sum3A_33 = vector.multi_reduction <add>, %exp3A_32, %reduce_sum3A [1] : vector<1024x2048xf32> to vector<1024xf32>
    %broadcast_in_dim3A_34 = vector.shape_cast %reduce_sum3A_33 : vector<1024xf32> to vector<1024x1xf32>
    %add3A_35 = arith.addf %mul3A_29, %broadcast_in_dim3A_34 : vector<1024x1xf32>
    %swap3A = arith.index_cast %mul3A_18 : i32 to index
    %swap3A_36 = arith.constant 0 : index
    %swap3A_37 = vector.load %arg6[%swap3A, %swap3A_36] : memref<4096x1xf32, #tpu.memory_space<vmem>>, vector<1024x1xf32>
    tpu.vector_store %arg6[%swap3A, %swap3A_36], %max3A {strides = array<i32>} : memref<4096x1xf32, #tpu.memory_space<vmem>>, vector<1024x1xf32>,
    %swap3A_38 = arith.index_cast %mul3A_18 : i32 to index
    %swap3A_39 = arith.constant 0 : index
    %swap3A_40 = vector.load %arg7[%swap3A_38, %swap3A_39] : memref<4096x1xf32, #tpu.memory_space<vmem>>, vector<1024x1xf32>
    tpu.vector_store %arg7[%swap3A_38, %swap3A_39], %add3A_35 {strides = array<i32>} : memref<4096x1xf32, #tpu.memory_space<vmem>>, vector<1024x1xf32>,
    %log3A = math.log %add3A_35 : vector<1024x1xf32>
    %add3A_41 = arith.addf %max3A, %log3A : vector<1024x1xf32>
    %swap3A_42 = arith.constant 0 : index
    %swap3A_43 = arith.constant 0 : index
    %swap3A_44 = vector.load %arg5[%swap3A_42, %swap3A_43] : memref<1024x1xf32, #tpu.memory_space<vmem>>, vector<1024x1xf32>
    tpu.vector_store %arg5[%swap3A_42, %swap3A_43], %add3A_41 {strides = array<i32>} : memref<1024x1xf32, #tpu.memory_space<vmem>>, vector<1024x1xf32>,
    return
  }
  func.func @transform_0(%arg0: i32, %arg1: i32) -> (i32, i32) {
    %c0_i32 = arith.constant 0 : i32
    %c0_i32_0 = arith.constant 0 : i32
    return %arg1, %c0_i32 : i32, i32
  }
  func.func @transform_1(%arg0: i32, %arg1: i32) -> (i32, i32) {
    %c0_i32 = arith.constant 0 : i32
    %c0_i32_0 = arith.constant 0 : i32
    return %c0_i32, %arg0 : i32, i32
  }
  func.func @transform_2(%arg0: i32, %arg1: i32) -> (i32, i32) {
    %c0_i32 = arith.constant 0 : i32
    %c0_i32_0 = arith.constant 0 : i32
    return %c0_i32, %arg0 : i32, i32
  }
  func.func @transform_3(%arg0: i32, %arg1: i32) -> (i32, i32) {
    %c0_i32 = arith.constant 0 : i32
    %c0_i32_0 = arith.constant 0 : i32
    return %arg1, %c0_i32 : i32, i32
  }
}

module attributes {stable_mosaic.version = 14 : i64} {
  func.func @body(%arg0: i32, %arg1: memref<4096x128xbf16, #tpu.memory_space<vmem>>, %arg2: memref<128x128xbf16, #tpu.memory_space<vmem>>, %arg3: memref<1x128xf32, #tpu.memory_space<vmem>>, %arg4: memref<4096x1xf32, #tpu.memory_space<vmem>>, %arg5: memref<4096x128xf32, #tpu.memory_space<vmem>>) attributes {dimension_semantics = [#tpu.dimension_semantics<arbitrary>], iteration_bounds = array<i64: 14>, scalar_prefetch = 0 : i64, scratch_operands = 0 : i64, tpu.core_type = #tpu.core_type<tc>, window_params = [{pipeline_mode = #tpu.pipeline_mode<synchronous>, transform_indices = @transform_0, window_bounds = array<i64: 4096, 128>}, {transform_indices = @transform_1, window_bounds = array<i64: 128, 128>}, {transform_indices = @transform_2, window_bounds = array<i64: 1, 128>}, {pipeline_mode = #tpu.pipeline_mode<synchronous>, transform_indices = @transform_3, window_bounds = array<i64: 4096, 1>}, {transform_indices = @transform_4, window_bounds = array<i64: 4096, 128>}]} {
    %get3A = arith.constant 0 : index
    %get3A_0 = arith.constant 0 : index
    %get3A_1 = vector.load %arg1[%get3A, %get3A_0] : memref<4096x128xbf16, #tpu.memory_space<vmem>>, vector<4096x128xbf16>
    %get3A_2 = arith.constant 0 : index
    %get3A_3 = arith.constant 0 : index
    %get3A_4 = vector.load %arg2[%get3A_2, %get3A_3] : memref<128x128xbf16, #tpu.memory_space<vmem>>, vector<128x128xbf16>
    %dot_general3A = arith.constant dense<0.000000e+00> : vector<4096x128xf32>
    %dot_general3A_5 = tpu.matmul %get3A_1, %get3A_4, %dot_general3A {dimension_numbers = #tpu.dot_dimension_numbers<[1], [0], [0], [1], [0, 0, 1, 1], [], []>, transpose_lhs_hint = false} : vector<4096x128xbf16>, vector<128x128xbf16>, vector<4096x128xf32> -> vector<4096x128xf32>
    %get3A_6 = arith.constant 0 : index
    %get3A_7 = arith.constant 0 : index
    %get3A_8 = vector.load %arg3[%get3A_6, %get3A_7] : memref<1x128xf32, #tpu.memory_space<vmem>>, vector<1x128xf32>
    %add3A = vector.broadcast %get3A_8 : vector<1x128xf32> to vector<4096x128xf32>
    %add3A_9 = arith.addf %dot_general3A_5, %add3A : vector<4096x128xf32>
    %get3A_10 = arith.constant 0 : index
    %get3A_11 = arith.constant 0 : index
    %get3A_12 = vector.load %arg4[%get3A_10, %get3A_11] : memref<4096x1xf32, #tpu.memory_space<vmem>>, vector<4096x1xf32>
    %sub3A = vector.broadcast %get3A_12 : vector<4096x1xf32> to vector<4096x128xf32>
    %sub3A_13 = arith.subf %add3A_9, %sub3A : vector<4096x128xf32>
    %swap3A = arith.constant 0 : index
    %swap3A_14 = arith.constant 0 : index
    %swap3A_15 = vector.load %arg5[%swap3A, %swap3A_14] : memref<4096x128xf32, #tpu.memory_space<vmem>>, vector<4096x128xf32>
    tpu.vector_store %arg5[%swap3A, %swap3A_14], %sub3A_13 {strides = array<i32>} : memref<4096x128xf32, #tpu.memory_space<vmem>>, vector<4096x128xf32>,
    return
  }
  func.func @transform_0(%arg0: i32) -> (i32, i32) {
    %c0_i32 = arith.constant 0 : i32
    %c0_i32_0 = arith.constant 0 : i32
    %c0_i32_1 = arith.constant 0 : i32
    return %c0_i32, %c0_i32_0 : i32, i32
  }
  func.func @transform_1(%arg0: i32) -> (i32, i32) {
    %add3A = arith.constant 768 : i32
    %add3A_0 = arith.addi %add3A, %arg0 : i32
    %c0_i32 = arith.constant 0 : i32
    %c0_i32_1 = arith.constant 0 : i32
    return %c0_i32, %add3A_0 : i32, i32
  }
  func.func @transform_2(%arg0: i32) -> (i32, i32) {
    %add3A = arith.constant 768 : i32
    %add3A_0 = arith.addi %add3A, %arg0 : i32
    %c0_i32 = arith.constant 0 : i32
    %c0_i32_1 = arith.constant 0 : i32
    return %c0_i32, %add3A_0 : i32, i32
  }
  func.func @transform_3(%arg0: i32) -> (i32, i32) {
    %c0_i32 = arith.constant 0 : i32
    %c0_i32_0 = arith.constant 0 : i32
    %c0_i32_1 = arith.constant 0 : i32
    return %c0_i32, %c0_i32_0 : i32, i32
  }
  func.func @transform_4(%arg0: i32) -> (i32, i32) {
    %add3A = arith.constant 768 : i32
    %add3A_0 = arith.addi %add3A, %arg0 : i32
    %c0_i32 = arith.constant 0 : i32
    %c0_i32_1 = arith.constant 0 : i32
    return %c0_i32, %add3A_0 : i32, i32
  }
}

module attributes {stable_mosaic.version = 14 : i64} {
  func.func @body(%arg0: i32, %arg1: i32, %arg2: memref<4096x100000xf32, #tpu.memory_space<any>>, %arg3: memref<4096x100000xf32, #tpu.memory_space<any>>, %arg4: memref<8x128x8192xf32, #tpu.memory_space<vmem>>, %arg5: memref<8x!tpu.dma_semaphore, #tpu.memory_space<semaphore_mem>>) attributes {dimension_semantics = [#tpu.dimension_semantics<arbitrary>, #tpu.dimension_semantics<arbitrary>], iteration_bounds = array<i64: 12, 32>, scalar_prefetch = 0 : i64, scratch_operands = 2 : i64, tpu.core_type = #tpu.core_type<tc>, window_params = [{}, {}]} {
    %mul3A = arith.constant 32 : i32
    %mul3A_0 = arith.muli %arg0, %mul3A : i32
    %add3A = arith.addi %mul3A_0, %arg1 : i32
    %rem3A = arith.constant 8 : i32
    %rem3A_1 = arith.remsi %add3A, %rem3A : i32
    %ge3A = arith.constant 8 : i32
    %ge3A_2 = arith.cmpi sge, %add3A, %ge3A : i32
    %convert_element_type3A = arith.extui %ge3A_2 : i1 to i32
    %cond3A = arith.constant 0 : i32
    %cond3A_3 = arith.cmpi ne, %convert_element_type3A, %cond3A : i32
    scf.if %cond3A_3 {
      %mul3A_54 = arith.constant 128 : i32
      %mul3A_55 = arith.muli %arg1, %mul3A_54 : i32
      %dma_wait3A = tpu.memref_slice %arg5[%rem3A_1] : memref<8x!tpu.dma_semaphore, #tpu.memory_space<semaphore_mem>> -> memref<1x!tpu.dma_semaphore, #tpu.memory_space<semaphore_mem>>
      %dma_wait3A_56 = tpu.memref_squeeze %dma_wait3A : memref<1x!tpu.dma_semaphore, #tpu.memory_space<semaphore_mem>> -> memref<!tpu.dma_semaphore, #tpu.memory_space<semaphore_mem>>
      %dma_wait3A_57 = arith.constant 0 : i32
      %dma_wait3A_58 = tpu.memref_slice %arg3[%mul3A_55, %dma_wait3A_57] : memref<4096x100000xf32, #tpu.memory_space<any>> -> memref<128x8192xf32, #tpu.memory_space<any>>
      %dma_wait3A_59 = arith.constant 0 : i32
      %dma_wait3A_60 = arith.constant 0 : i32
      %dma_wait3A_61 = tpu.memref_slice %arg4[%rem3A_1, %dma_wait3A_59, %dma_wait3A_60] : memref<8x128x8192xf32, #tpu.memory_space<vmem>> -> memref<1x128x8192xf32, #tpu.memory_space<vmem>>
      %dma_wait3A_62 = tpu.memref_squeeze %dma_wait3A_61 : memref<1x128x8192xf32, #tpu.memory_space<vmem>> -> memref<128x8192xf32, #tpu.memory_space<vmem>>
      tpu.wait_dma2 semaphore(%dma_wait3A_56 : memref<!tpu.dma_semaphore, #tpu.memory_space<semaphore_mem>>) src(%dma_wait3A_62 : memref<128x8192xf32, #tpu.memory_space<vmem>>) dst(%dma_wait3A_58 : memref<128x8192xf32, #tpu.memory_space<any>>)
    } else {
    }
    %broadcast_in_dim3A = arith.constant 1.000000e+00 : f32
    %broadcast_in_dim3A_4 = vector.broadcast %broadcast_in_dim3A : f32 to vector<128x8192xf32>
    %swap3A = arith.index_cast %rem3A_1 : i32 to index
    %swap3A_5 = arith.constant 0 : index
    %swap3A_6 = arith.constant 0 : index
    %swap3A_7 = vector.load %arg4[%swap3A, %swap3A_5, %swap3A_6] : memref<8x128x8192xf32, #tpu.memory_space<vmem>>, vector<1x128x8192xf32>
    %swap3A_8 = vector.shape_cast %swap3A_7 : vector<1x128x8192xf32> to vector<128x8192xf32>
    %swap3A_9 = vector.shape_cast %broadcast_in_dim3A_4 : vector<128x8192xf32> to vector<1x128x8192xf32>
    tpu.vector_store %arg4[%swap3A, %swap3A_5, %swap3A_6], %swap3A_9 {strides = array<i32>} : memref<8x128x8192xf32, #tpu.memory_space<vmem>>, vector<1x128x8192xf32>,
    %eq3A = arith.constant 0 : i32
    %eq3A_10 = arith.cmpi eq, %rem3A_1, %eq3A : i32
    %convert_element_type3A_11 = arith.extui %eq3A_10 : i1 to i32
    %cond3A_12 = arith.constant 0 : i32
    %cond3A_13 = arith.cmpi ne, %convert_element_type3A_11, %cond3A_12 : i32
    scf.if %cond3A_13 {
      %mul3A_54 = arith.constant 128 : i32
      %mul3A_55 = arith.muli %arg1, %mul3A_54 : i32
      %mul3A_56 = arith.constant 8192 : i32
      %mul3A_57 = arith.muli %arg0, %mul3A_56 : i32
      %dma_start3A = tpu.memref_slice %arg5[%rem3A_1] : memref<8x!tpu.dma_semaphore, #tpu.memory_space<semaphore_mem>> -> memref<1x!tpu.dma_semaphore, #tpu.memory_space<semaphore_mem>>
      %dma_start3A_58 = tpu.memref_squeeze %dma_start3A : memref<1x!tpu.dma_semaphore, #tpu.memory_space<semaphore_mem>> -> memref<!tpu.dma_semaphore, #tpu.memory_space<semaphore_mem>>
      %dma_start3A_59 = tpu.memref_slice %arg3[%mul3A_55, %mul3A_57] : memref<4096x100000xf32, #tpu.memory_space<any>> -> memref<128x8192xf32, #tpu.memory_space<any>>
      %dma_start3A_60 = arith.constant 0 : i32
      %dma_start3A_61 = arith.constant 0 : i32
      %dma_start3A_62 = tpu.memref_slice %arg4[%rem3A_1, %dma_start3A_60, %dma_start3A_61] : memref<8x128x8192xf32, #tpu.memory_space<vmem>> -> memref<1x128x8192xf32, #tpu.memory_space<vmem>>
      %dma_start3A_63 = tpu.memref_squeeze %dma_start3A_62 : memref<1x128x8192xf32, #tpu.memory_space<vmem>> -> memref<128x8192xf32, #tpu.memory_space<vmem>>
      tpu.enqueue_dma source(%dma_start3A_63 : memref<128x8192xf32, #tpu.memory_space<vmem>>) target(%dma_start3A_59 : memref<128x8192xf32, #tpu.memory_space<any>>) target_semaphore(%dma_start3A_58 : memref<!tpu.dma_semaphore, #tpu.memory_space<semaphore_mem>>)
    } else {
    }
    %eq3A_14 = arith.constant 1 : i32
    %eq3A_15 = arith.cmpi eq, %rem3A_1, %eq3A_14 : i32
    %convert_element_type3A_16 = arith.extui %eq3A_15 : i1 to i32
    %cond3A_17 = arith.constant 0 : i32
    %cond3A_18 = arith.cmpi ne, %convert_element_type3A_16, %cond3A_17 : i32
    scf.if %cond3A_18 {
      %mul3A_54 = arith.constant 128 : i32
      %mul3A_55 = arith.muli %arg1, %mul3A_54 : i32
      %mul3A_56 = arith.constant 8192 : i32
      %mul3A_57 = arith.muli %arg0, %mul3A_56 : i32
      %dma_start3A = tpu.memref_slice %arg5[%rem3A_1] : memref<8x!tpu.dma_semaphore, #tpu.memory_space<semaphore_mem>> -> memref<1x!tpu.dma_semaphore, #tpu.memory_space<semaphore_mem>>
      %dma_start3A_58 = tpu.memref_squeeze %dma_start3A : memref<1x!tpu.dma_semaphore, #tpu.memory_space<semaphore_mem>> -> memref<!tpu.dma_semaphore, #tpu.memory_space<semaphore_mem>>
      %dma_start3A_59 = tpu.memref_slice %arg3[%mul3A_55, %mul3A_57] : memref<4096x100000xf32, #tpu.memory_space<any>> -> memref<128x8192xf32, #tpu.memory_space<any>>
      %dma_start3A_60 = arith.constant 0 : i32
      %dma_start3A_61 = arith.constant 0 : i32
      %dma_start3A_62 = tpu.memref_slice %arg4[%rem3A_1, %dma_start3A_60, %dma_start3A_61] : memref<8x128x8192xf32, #tpu.memory_space<vmem>> -> memref<1x128x8192xf32, #tpu.memory_space<vmem>>
      %dma_start3A_63 = tpu.memref_squeeze %dma_start3A_62 : memref<1x128x8192xf32, #tpu.memory_space<vmem>> -> memref<128x8192xf32, #tpu.memory_space<vmem>>
      tpu.enqueue_dma source(%dma_start3A_63 : memref<128x8192xf32, #tpu.memory_space<vmem>>) target(%dma_start3A_59 : memref<128x8192xf32, #tpu.memory_space<any>>) target_semaphore(%dma_start3A_58 : memref<!tpu.dma_semaphore, #tpu.memory_space<semaphore_mem>>) {priority = 1 : i32}
    } else {
    }
    %eq3A_19 = arith.constant 2 : i32
    %eq3A_20 = arith.cmpi eq, %rem3A_1, %eq3A_19 : i32
    %convert_element_type3A_21 = arith.extui %eq3A_20 : i1 to i32
    %cond3A_22 = arith.constant 0 : i32
    %cond3A_23 = arith.cmpi ne, %convert_element_type3A_21, %cond3A_22 : i32
    scf.if %cond3A_23 {
      %mul3A_54 = arith.constant 128 : i32
      %mul3A_55 = arith.muli %arg1, %mul3A_54 : i32
      %mul3A_56 = arith.constant 8192 : i32
      %mul3A_57 = arith.muli %arg0, %mul3A_56 : i32
      %dma_start3A = tpu.memref_slice %arg5[%rem3A_1] : memref<8x!tpu.dma_semaphore, #tpu.memory_space<semaphore_mem>> -> memref<1x!tpu.dma_semaphore, #tpu.memory_space<semaphore_mem>>
      %dma_start3A_58 = tpu.memref_squeeze %dma_start3A : memref<1x!tpu.dma_semaphore, #tpu.memory_space<semaphore_mem>> -> memref<!tpu.dma_semaphore, #tpu.memory_space<semaphore_mem>>
      %dma_start3A_59 = tpu.memref_slice %arg3[%mul3A_55, %mul3A_57] : memref<4096x100000xf32, #tpu.memory_space<any>> -> memref<128x8192xf32, #tpu.memory_space<any>>
      %dma_start3A_60 = arith.constant 0 : i32
      %dma_start3A_61 = arith.constant 0 : i32
      %dma_start3A_62 = tpu.memref_slice %arg4[%rem3A_1, %dma_start3A_60, %dma_start3A_61] : memref<8x128x8192xf32, #tpu.memory_space<vmem>> -> memref<1x128x8192xf32, #tpu.memory_space<vmem>>
      %dma_start3A_63 = tpu.memref_squeeze %dma_start3A_62 : memref<1x128x8192xf32, #tpu.memory_space<vmem>> -> memref<128x8192xf32, #tpu.memory_space<vmem>>
      tpu.enqueue_dma source(%dma_start3A_63 : memref<128x8192xf32, #tpu.memory_space<vmem>>) target(%dma_start3A_59 : memref<128x8192xf32, #tpu.memory_space<any>>) target_semaphore(%dma_start3A_58 : memref<!tpu.dma_semaphore, #tpu.memory_space<semaphore_mem>>)
    } else {
    }
    %eq3A_24 = arith.constant 3 : i32
    %eq3A_25 = arith.cmpi eq, %rem3A_1, %eq3A_24 : i32
    %convert_element_type3A_26 = arith.extui %eq3A_25 : i1 to i32
    %cond3A_27 = arith.constant 0 : i32
    %cond3A_28 = arith.cmpi ne, %convert_element_type3A_26, %cond3A_27 : i32
    scf.if %cond3A_28 {
      %mul3A_54 = arith.constant 128 : i32
      %mul3A_55 = arith.muli %arg1, %mul3A_54 : i32
      %mul3A_56 = arith.constant 8192 : i32
      %mul3A_57 = arith.muli %arg0, %mul3A_56 : i32
      %dma_start3A = tpu.memref_slice %arg5[%rem3A_1] : memref<8x!tpu.dma_semaphore, #tpu.memory_space<semaphore_mem>> -> memref<1x!tpu.dma_semaphore, #tpu.memory_space<semaphore_mem>>
      %dma_start3A_58 = tpu.memref_squeeze %dma_start3A : memref<1x!tpu.dma_semaphore, #tpu.memory_space<semaphore_mem>> -> memref<!tpu.dma_semaphore, #tpu.memory_space<semaphore_mem>>
      %dma_start3A_59 = tpu.memref_slice %arg3[%mul3A_55, %mul3A_57] : memref<4096x100000xf32, #tpu.memory_space<any>> -> memref<128x8192xf32, #tpu.memory_space<any>>
      %dma_start3A_60 = arith.constant 0 : i32
      %dma_start3A_61 = arith.constant 0 : i32
      %dma_start3A_62 = tpu.memref_slice %arg4[%rem3A_1, %dma_start3A_60, %dma_start3A_61] : memref<8x128x8192xf32, #tpu.memory_space<vmem>> -> memref<1x128x8192xf32, #tpu.memory_space<vmem>>
      %dma_start3A_63 = tpu.memref_squeeze %dma_start3A_62 : memref<1x128x8192xf32, #tpu.memory_space<vmem>> -> memref<128x8192xf32, #tpu.memory_space<vmem>>
      tpu.enqueue_dma source(%dma_start3A_63 : memref<128x8192xf32, #tpu.memory_space<vmem>>) target(%dma_start3A_59 : memref<128x8192xf32, #tpu.memory_space<any>>) target_semaphore(%dma_start3A_58 : memref<!tpu.dma_semaphore, #tpu.memory_space<semaphore_mem>>) {priority = 1 : i32}
    } else {
    }
    %eq3A_29 = arith.constant 4 : i32
    %eq3A_30 = arith.cmpi eq, %rem3A_1, %eq3A_29 : i32
    %convert_element_type3A_31 = arith.extui %eq3A_30 : i1 to i32
    %cond3A_32 = arith.constant 0 : i32
    %cond3A_33 = arith.cmpi ne, %convert_element_type3A_31, %cond3A_32 : i32
    scf.if %cond3A_33 {
      %mul3A_54 = arith.constant 128 : i32
      %mul3A_55 = arith.muli %arg1, %mul3A_54 : i32
      %mul3A_56 = arith.constant 8192 : i32
      %mul3A_57 = arith.muli %arg0, %mul3A_56 : i32
      %dma_start3A = tpu.memref_slice %arg5[%rem3A_1] : memref<8x!tpu.dma_semaphore, #tpu.memory_space<semaphore_mem>> -> memref<1x!tpu.dma_semaphore, #tpu.memory_space<semaphore_mem>>
      %dma_start3A_58 = tpu.memref_squeeze %dma_start3A : memref<1x!tpu.dma_semaphore, #tpu.memory_space<semaphore_mem>> -> memref<!tpu.dma_semaphore, #tpu.memory_space<semaphore_mem>>
      %dma_start3A_59 = tpu.memref_slice %arg3[%mul3A_55, %mul3A_57] : memref<4096x100000xf32, #tpu.memory_space<any>> -> memref<128x8192xf32, #tpu.memory_space<any>>
      %dma_start3A_60 = arith.constant 0 : i32
      %dma_start3A_61 = arith.constant 0 : i32
      %dma_start3A_62 = tpu.memref_slice %arg4[%rem3A_1, %dma_start3A_60, %dma_start3A_61] : memref<8x128x8192xf32, #tpu.memory_space<vmem>> -> memref<1x128x8192xf32, #tpu.memory_space<vmem>>
      %dma_start3A_63 = tpu.memref_squeeze %dma_start3A_62 : memref<1x128x8192xf32, #tpu.memory_space<vmem>> -> memref<128x8192xf32, #tpu.memory_space<vmem>>
      tpu.enqueue_dma source(%dma_start3A_63 : memref<128x8192xf32, #tpu.memory_space<vmem>>) target(%dma_start3A_59 : memref<128x8192xf32, #tpu.memory_space<any>>) target_semaphore(%dma_start3A_58 : memref<!tpu.dma_semaphore, #tpu.memory_space<semaphore_mem>>)
    } else {
    }
    %eq3A_34 = arith.constant 5 : i32
    %eq3A_35 = arith.cmpi eq, %rem3A_1, %eq3A_34 : i32
    %convert_element_type3A_36 = arith.extui %eq3A_35 : i1 to i32
    %cond3A_37 = arith.constant 0 : i32
    %cond3A_38 = arith.cmpi ne, %convert_element_type3A_36, %cond3A_37 : i32
    scf.if %cond3A_38 {
      %mul3A_54 = arith.constant 128 : i32
      %mul3A_55 = arith.muli %arg1, %mul3A_54 : i32
      %mul3A_56 = arith.constant 8192 : i32
      %mul3A_57 = arith.muli %arg0, %mul3A_56 : i32
      %dma_start3A = tpu.memref_slice %arg5[%rem3A_1] : memref<8x!tpu.dma_semaphore, #tpu.memory_space<semaphore_mem>> -> memref<1x!tpu.dma_semaphore, #tpu.memory_space<semaphore_mem>>
      %dma_start3A_58 = tpu.memref_squeeze %dma_start3A : memref<1x!tpu.dma_semaphore, #tpu.memory_space<semaphore_mem>> -> memref<!tpu.dma_semaphore, #tpu.memory_space<semaphore_mem>>
      %dma_start3A_59 = tpu.memref_slice %arg3[%mul3A_55, %mul3A_57] : memref<4096x100000xf32, #tpu.memory_space<any>> -> memref<128x8192xf32, #tpu.memory_space<any>>
      %dma_start3A_60 = arith.constant 0 : i32
      %dma_start3A_61 = arith.constant 0 : i32
      %dma_start3A_62 = tpu.memref_slice %arg4[%rem3A_1, %dma_start3A_60, %dma_start3A_61] : memref<8x128x8192xf32, #tpu.memory_space<vmem>> -> memref<1x128x8192xf32, #tpu.memory_space<vmem>>
      %dma_start3A_63 = tpu.memref_squeeze %dma_start3A_62 : memref<1x128x8192xf32, #tpu.memory_space<vmem>> -> memref<128x8192xf32, #tpu.memory_space<vmem>>
      tpu.enqueue_dma source(%dma_start3A_63 : memref<128x8192xf32, #tpu.memory_space<vmem>>) target(%dma_start3A_59 : memref<128x8192xf32, #tpu.memory_space<any>>) target_semaphore(%dma_start3A_58 : memref<!tpu.dma_semaphore, #tpu.memory_space<semaphore_mem>>) {priority = 1 : i32}
    } else {
    }
    %eq3A_39 = arith.constant 6 : i32
    %eq3A_40 = arith.cmpi eq, %rem3A_1, %eq3A_39 : i32
    %convert_element_type3A_41 = arith.extui %eq3A_40 : i1 to i32
    %cond3A_42 = arith.constant 0 : i32
    %cond3A_43 = arith.cmpi ne, %convert_element_type3A_41, %cond3A_42 : i32
    scf.if %cond3A_43 {
      %mul3A_54 = arith.constant 128 : i32
      %mul3A_55 = arith.muli %arg1, %mul3A_54 : i32
      %mul3A_56 = arith.constant 8192 : i32
      %mul3A_57 = arith.muli %arg0, %mul3A_56 : i32
      %dma_start3A = tpu.memref_slice %arg5[%rem3A_1] : memref<8x!tpu.dma_semaphore, #tpu.memory_space<semaphore_mem>> -> memref<1x!tpu.dma_semaphore, #tpu.memory_space<semaphore_mem>>
      %dma_start3A_58 = tpu.memref_squeeze %dma_start3A : memref<1x!tpu.dma_semaphore, #tpu.memory_space<semaphore_mem>> -> memref<!tpu.dma_semaphore, #tpu.memory_space<semaphore_mem>>
      %dma_start3A_59 = tpu.memref_slice %arg3[%mul3A_55, %mul3A_57] : memref<4096x100000xf32, #tpu.memory_space<any>> -> memref<128x8192xf32, #tpu.memory_space<any>>
      %dma_start3A_60 = arith.constant 0 : i32
      %dma_start3A_61 = arith.constant 0 : i32
      %dma_start3A_62 = tpu.memref_slice %arg4[%rem3A_1, %dma_start3A_60, %dma_start3A_61] : memref<8x128x8192xf32, #tpu.memory_space<vmem>> -> memref<1x128x8192xf32, #tpu.memory_space<vmem>>
      %dma_start3A_63 = tpu.memref_squeeze %dma_start3A_62 : memref<1x128x8192xf32, #tpu.memory_space<vmem>> -> memref<128x8192xf32, #tpu.memory_space<vmem>>
      tpu.enqueue_dma source(%dma_start3A_63 : memref<128x8192xf32, #tpu.memory_space<vmem>>) target(%dma_start3A_59 : memref<128x8192xf32, #tpu.memory_space<any>>) target_semaphore(%dma_start3A_58 : memref<!tpu.dma_semaphore, #tpu.memory_space<semaphore_mem>>)
    } else {
    }
    %eq3A_44 = arith.constant 7 : i32
    %eq3A_45 = arith.cmpi eq, %rem3A_1, %eq3A_44 : i32
    %convert_element_type3A_46 = arith.extui %eq3A_45 : i1 to i32
    %cond3A_47 = arith.constant 0 : i32
    %cond3A_48 = arith.cmpi ne, %convert_element_type3A_46, %cond3A_47 : i32
    scf.if %cond3A_48 {
      %mul3A_54 = arith.constant 128 : i32
      %mul3A_55 = arith.muli %arg1, %mul3A_54 : i32
      %mul3A_56 = arith.constant 8192 : i32
      %mul3A_57 = arith.muli %arg0, %mul3A_56 : i32
      %dma_start3A = tpu.memref_slice %arg5[%rem3A_1] : memref<8x!tpu.dma_semaphore, #tpu.memory_space<semaphore_mem>> -> memref<1x!tpu.dma_semaphore, #tpu.memory_space<semaphore_mem>>
      %dma_start3A_58 = tpu.memref_squeeze %dma_start3A : memref<1x!tpu.dma_semaphore, #tpu.memory_space<semaphore_mem>> -> memref<!tpu.dma_semaphore, #tpu.memory_space<semaphore_mem>>
      %dma_start3A_59 = tpu.memref_slice %arg3[%mul3A_55, %mul3A_57] : memref<4096x100000xf32, #tpu.memory_space<any>> -> memref<128x8192xf32, #tpu.memory_space<any>>
      %dma_start3A_60 = arith.constant 0 : i32
      %dma_start3A_61 = arith.constant 0 : i32
      %dma_start3A_62 = tpu.memref_slice %arg4[%rem3A_1, %dma_start3A_60, %dma_start3A_61] : memref<8x128x8192xf32, #tpu.memory_space<vmem>> -> memref<1x128x8192xf32, #tpu.memory_space<vmem>>
      %dma_start3A_63 = tpu.memref_squeeze %dma_start3A_62 : memref<1x128x8192xf32, #tpu.memory_space<vmem>> -> memref<128x8192xf32, #tpu.memory_space<vmem>>
      tpu.enqueue_dma source(%dma_start3A_63 : memref<128x8192xf32, #tpu.memory_space<vmem>>) target(%dma_start3A_59 : memref<128x8192xf32, #tpu.memory_space<any>>) target_semaphore(%dma_start3A_58 : memref<!tpu.dma_semaphore, #tpu.memory_space<semaphore_mem>>) {priority = 1 : i32}
    } else {
    }
    %eq3A_49 = arith.constant 383 : i32
    %eq3A_50 = arith.cmpi eq, %add3A, %eq3A_49 : i32
    %convert_element_type3A_51 = arith.extui %eq3A_50 : i1 to i32
    %cond3A_52 = arith.constant 0 : i32
    %cond3A_53 = arith.cmpi ne, %convert_element_type3A_51, %cond3A_52 : i32
    scf.if %cond3A_53 {
      %dma_wait3A = arith.constant 0 : i32
      %dma_wait3A_54 = arith.constant 0 : i32
      %dma_wait3A_55 = tpu.memref_slice %arg5[%dma_wait3A_54] : memref<8x!tpu.dma_semaphore, #tpu.memory_space<semaphore_mem>> -> memref<1x!tpu.dma_semaphore, #tpu.memory_space<semaphore_mem>>
      %dma_wait3A_56 = tpu.memref_squeeze %dma_wait3A_55 : memref<1x!tpu.dma_semaphore, #tpu.memory_space<semaphore_mem>> -> memref<!tpu.dma_semaphore, #tpu.memory_space<semaphore_mem>>
      %dma_wait3A_57 = arith.constant 3072 : i32
      %dma_wait3A_58 = arith.constant 90112 : i32
      %dma_wait3A_59 = tpu.memref_slice %arg3[%dma_wait3A_57, %dma_wait3A_58] : memref<4096x100000xf32, #tpu.memory_space<any>> -> memref<128x8192xf32, #tpu.memory_space<any>>
      %dma_wait3A_60 = arith.constant 0 : i32
      %dma_wait3A_61 = arith.constant 0 : i32
      %dma_wait3A_62 = tpu.memref_slice %arg4[%dma_wait3A, %dma_wait3A_60, %dma_wait3A_61] : memref<8x128x8192xf32, #tpu.memory_space<vmem>> -> memref<1x128x8192xf32, #tpu.memory_space<vmem>>
      %dma_wait3A_63 = tpu.memref_squeeze %dma_wait3A_62 : memref<1x128x8192xf32, #tpu.memory_space<vmem>> -> memref<128x8192xf32, #tpu.memory_space<vmem>>
      tpu.wait_dma2 semaphore(%dma_wait3A_56 : memref<!tpu.dma_semaphore, #tpu.memory_space<semaphore_mem>>) src(%dma_wait3A_63 : memref<128x8192xf32, #tpu.memory_space<vmem>>) dst(%dma_wait3A_59 : memref<128x8192xf32, #tpu.memory_space<any>>)
      %dma_wait3A_64 = arith.constant 1 : i32
      %dma_wait3A_65 = arith.constant 1 : i32
      %dma_wait3A_66 = tpu.memref_slice %arg5[%dma_wait3A_65] : memref<8x!tpu.dma_semaphore, #tpu.memory_space<semaphore_mem>> -> memref<1x!tpu.dma_semaphore, #tpu.memory_space<semaphore_mem>>
      %dma_wait3A_67 = tpu.memref_squeeze %dma_wait3A_66 : memref<1x!tpu.dma_semaphore, #tpu.memory_space<semaphore_mem>> -> memref<!tpu.dma_semaphore, #tpu.memory_space<semaphore_mem>>
      %dma_wait3A_68 = arith.constant 3200 : i32
      %dma_wait3A_69 = arith.constant 90112 : i32
      %dma_wait3A_70 = tpu.memref_slice %arg3[%dma_wait3A_68, %dma_wait3A_69] : memref<4096x100000xf32, #tpu.memory_space<any>> -> memref<128x8192xf32, #tpu.memory_space<any>>
      %dma_wait3A_71 = arith.constant 0 : i32
      %dma_wait3A_72 = arith.constant 0 : i32
      %dma_wait3A_73 = tpu.memref_slice %arg4[%dma_wait3A_64, %dma_wait3A_71, %dma_wait3A_72] : memref<8x128x8192xf32, #tpu.memory_space<vmem>> -> memref<1x128x8192xf32, #tpu.memory_space<vmem>>
      %dma_wait3A_74 = tpu.memref_squeeze %dma_wait3A_73 : memref<1x128x8192xf32, #tpu.memory_space<vmem>> -> memref<128x8192xf32, #tpu.memory_space<vmem>>
      tpu.wait_dma2 semaphore(%dma_wait3A_67 : memref<!tpu.dma_semaphore, #tpu.memory_space<semaphore_mem>>) src(%dma_wait3A_74 : memref<128x8192xf32, #tpu.memory_space<vmem>>) dst(%dma_wait3A_70 : memref<128x8192xf32, #tpu.memory_space<any>>)
      %dma_wait3A_75 = arith.constant 2 : i32
      %dma_wait3A_76 = arith.constant 2 : i32
      %dma_wait3A_77 = tpu.memref_slice %arg5[%dma_wait3A_76] : memref<8x!tpu.dma_semaphore, #tpu.memory_space<semaphore_mem>> -> memref<1x!tpu.dma_semaphore, #tpu.memory_space<semaphore_mem>>
      %dma_wait3A_78 = tpu.memref_squeeze %dma_wait3A_77 : memref<1x!tpu.dma_semaphore, #tpu.memory_space<semaphore_mem>> -> memref<!tpu.dma_semaphore, #tpu.memory_space<semaphore_mem>>
      %dma_wait3A_79 = arith.constant 3328 : i32
      %dma_wait3A_80 = arith.constant 90112 : i32
      %dma_wait3A_81 = tpu.memref_slice %arg3[%dma_wait3A_79, %dma_wait3A_80] : memref<4096x100000xf32, #tpu.memory_space<any>> -> memref<128x8192xf32, #tpu.memory_space<any>>
      %dma_wait3A_82 = arith.constant 0 : i32
      %dma_wait3A_83 = arith.constant 0 : i32
      %dma_wait3A_84 = tpu.memref_slice %arg4[%dma_wait3A_75, %dma_wait3A_82, %dma_wait3A_83] : memref<8x128x8192xf32, #tpu.memory_space<vmem>> -> memref<1x128x8192xf32, #tpu.memory_space<vmem>>
      %dma_wait3A_85 = tpu.memref_squeeze %dma_wait3A_84 : memref<1x128x8192xf32, #tpu.memory_space<vmem>> -> memref<128x8192xf32, #tpu.memory_space<vmem>>
      tpu.wait_dma2 semaphore(%dma_wait3A_78 : memref<!tpu.dma_semaphore, #tpu.memory_space<semaphore_mem>>) src(%dma_wait3A_85 : memref<128x8192xf32, #tpu.memory_space<vmem>>) dst(%dma_wait3A_81 : memref<128x8192xf32, #tpu.memory_space<any>>)
      %dma_wait3A_86 = arith.constant 3 : i32
      %dma_wait3A_87 = arith.constant 3 : i32
      %dma_wait3A_88 = tpu.memref_slice %arg5[%dma_wait3A_87] : memref<8x!tpu.dma_semaphore, #tpu.memory_space<semaphore_mem>> -> memref<1x!tpu.dma_semaphore, #tpu.memory_space<semaphore_mem>>
      %dma_wait3A_89 = tpu.memref_squeeze %dma_wait3A_88 : memref<1x!tpu.dma_semaphore, #tpu.memory_space<semaphore_mem>> -> memref<!tpu.dma_semaphore, #tpu.memory_space<semaphore_mem>>
      %dma_wait3A_90 = arith.constant 3456 : i32
      %dma_wait3A_91 = arith.constant 90112 : i32
      %dma_wait3A_92 = tpu.memref_slice %arg3[%dma_wait3A_90, %dma_wait3A_91] : memref<4096x100000xf32, #tpu.memory_space<any>> -> memref<128x8192xf32, #tpu.memory_space<any>>
      %dma_wait3A_93 = arith.constant 0 : i32
      %dma_wait3A_94 = arith.constant 0 : i32
      %dma_wait3A_95 = tpu.memref_slice %arg4[%dma_wait3A_86, %dma_wait3A_93, %dma_wait3A_94] : memref<8x128x8192xf32, #tpu.memory_space<vmem>> -> memref<1x128x8192xf32, #tpu.memory_space<vmem>>
      %dma_wait3A_96 = tpu.memref_squeeze %dma_wait3A_95 : memref<1x128x8192xf32, #tpu.memory_space<vmem>> -> memref<128x8192xf32, #tpu.memory_space<vmem>>
      tpu.wait_dma2 semaphore(%dma_wait3A_89 : memref<!tpu.dma_semaphore, #tpu.memory_space<semaphore_mem>>) src(%dma_wait3A_96 : memref<128x8192xf32, #tpu.memory_space<vmem>>) dst(%dma_wait3A_92 : memref<128x8192xf32, #tpu.memory_space<any>>)
      %dma_wait3A_97 = arith.constant 4 : i32
      %dma_wait3A_98 = arith.constant 4 : i32
      %dma_wait3A_99 = tpu.memref_slice %arg5[%dma_wait3A_98] : memref<8x!tpu.dma_semaphore, #tpu.memory_space<semaphore_mem>> -> memref<1x!tpu.dma_semaphore, #tpu.memory_space<semaphore_mem>>
      %dma_wait3A_100 = tpu.memref_squeeze %dma_wait3A_99 : memref<1x!tpu.dma_semaphore, #tpu.memory_space<semaphore_mem>> -> memref<!tpu.dma_semaphore, #tpu.memory_space<semaphore_mem>>
      %dma_wait3A_101 = arith.constant 3584 : i32
      %dma_wait3A_102 = arith.constant 90112 : i32
      %dma_wait3A_103 = tpu.memref_slice %arg3[%dma_wait3A_101, %dma_wait3A_102] : memref<4096x100000xf32, #tpu.memory_space<any>> -> memref<128x8192xf32, #tpu.memory_space<any>>
      %dma_wait3A_104 = arith.constant 0 : i32
      %dma_wait3A_105 = arith.constant 0 : i32
      %dma_wait3A_106 = tpu.memref_slice %arg4[%dma_wait3A_97, %dma_wait3A_104, %dma_wait3A_105] : memref<8x128x8192xf32, #tpu.memory_space<vmem>> -> memref<1x128x8192xf32, #tpu.memory_space<vmem>>
      %dma_wait3A_107 = tpu.memref_squeeze %dma_wait3A_106 : memref<1x128x8192xf32, #tpu.memory_space<vmem>> -> memref<128x8192xf32, #tpu.memory_space<vmem>>
      tpu.wait_dma2 semaphore(%dma_wait3A_100 : memref<!tpu.dma_semaphore, #tpu.memory_space<semaphore_mem>>) src(%dma_wait3A_107 : memref<128x8192xf32, #tpu.memory_space<vmem>>) dst(%dma_wait3A_103 : memref<128x8192xf32, #tpu.memory_space<any>>)
      %dma_wait3A_108 = arith.constant 5 : i32
      %dma_wait3A_109 = arith.constant 5 : i32
      %dma_wait3A_110 = tpu.memref_slice %arg5[%dma_wait3A_109] : memref<8x!tpu.dma_semaphore, #tpu.memory_space<semaphore_mem>> -> memref<1x!tpu.dma_semaphore, #tpu.memory_space<semaphore_mem>>
      %dma_wait3A_111 = tpu.memref_squeeze %dma_wait3A_110 : memref<1x!tpu.dma_semaphore, #tpu.memory_space<semaphore_mem>> -> memref<!tpu.dma_semaphore, #tpu.memory_space<semaphore_mem>>
      %dma_wait3A_112 = arith.constant 3712 : i32
      %dma_wait3A_113 = arith.constant 90112 : i32
      %dma_wait3A_114 = tpu.memref_slice %arg3[%dma_wait3A_112, %dma_wait3A_113] : memref<4096x100000xf32, #tpu.memory_space<any>> -> memref<128x8192xf32, #tpu.memory_space<any>>
      %dma_wait3A_115 = arith.constant 0 : i32
      %dma_wait3A_116 = arith.constant 0 : i32
      %dma_wait3A_117 = tpu.memref_slice %arg4[%dma_wait3A_108, %dma_wait3A_115, %dma_wait3A_116] : memref<8x128x8192xf32, #tpu.memory_space<vmem>> -> memref<1x128x8192xf32, #tpu.memory_space<vmem>>
      %dma_wait3A_118 = tpu.memref_squeeze %dma_wait3A_117 : memref<1x128x8192xf32, #tpu.memory_space<vmem>> -> memref<128x8192xf32, #tpu.memory_space<vmem>>
      tpu.wait_dma2 semaphore(%dma_wait3A_111 : memref<!tpu.dma_semaphore, #tpu.memory_space<semaphore_mem>>) src(%dma_wait3A_118 : memref<128x8192xf32, #tpu.memory_space<vmem>>) dst(%dma_wait3A_114 : memref<128x8192xf32, #tpu.memory_space<any>>)
      %dma_wait3A_119 = arith.constant 6 : i32
      %dma_wait3A_120 = arith.constant 6 : i32
      %dma_wait3A_121 = tpu.memref_slice %arg5[%dma_wait3A_120] : memref<8x!tpu.dma_semaphore, #tpu.memory_space<semaphore_mem>> -> memref<1x!tpu.dma_semaphore, #tpu.memory_space<semaphore_mem>>
      %dma_wait3A_122 = tpu.memref_squeeze %dma_wait3A_121 : memref<1x!tpu.dma_semaphore, #tpu.memory_space<semaphore_mem>> -> memref<!tpu.dma_semaphore, #tpu.memory_space<semaphore_mem>>
      %dma_wait3A_123 = arith.constant 3840 : i32
      %dma_wait3A_124 = arith.constant 90112 : i32
      %dma_wait3A_125 = tpu.memref_slice %arg3[%dma_wait3A_123, %dma_wait3A_124] : memref<4096x100000xf32, #tpu.memory_space<any>> -> memref<128x8192xf32, #tpu.memory_space<any>>
      %dma_wait3A_126 = arith.constant 0 : i32
      %dma_wait3A_127 = arith.constant 0 : i32
      %dma_wait3A_128 = tpu.memref_slice %arg4[%dma_wait3A_119, %dma_wait3A_126, %dma_wait3A_127] : memref<8x128x8192xf32, #tpu.memory_space<vmem>> -> memref<1x128x8192xf32, #tpu.memory_space<vmem>>
      %dma_wait3A_129 = tpu.memref_squeeze %dma_wait3A_128 : memref<1x128x8192xf32, #tpu.memory_space<vmem>> -> memref<128x8192xf32, #tpu.memory_space<vmem>>
      tpu.wait_dma2 semaphore(%dma_wait3A_122 : memref<!tpu.dma_semaphore, #tpu.memory_space<semaphore_mem>>) src(%dma_wait3A_129 : memref<128x8192xf32, #tpu.memory_space<vmem>>) dst(%dma_wait3A_125 : memref<128x8192xf32, #tpu.memory_space<any>>)
      %dma_wait3A_130 = arith.constant 7 : i32
      %dma_wait3A_131 = arith.constant 7 : i32
      %dma_wait3A_132 = tpu.memref_slice %arg5[%dma_wait3A_131] : memref<8x!tpu.dma_semaphore, #tpu.memory_space<semaphore_mem>> -> memref<1x!tpu.dma_semaphore, #tpu.memory_space<semaphore_mem>>
      %dma_wait3A_133 = tpu.memref_squeeze %dma_wait3A_132 : memref<1x!tpu.dma_semaphore, #tpu.memory_space<semaphore_mem>> -> memref<!tpu.dma_semaphore, #tpu.memory_space<semaphore_mem>>
      %dma_wait3A_134 = arith.constant 3968 : i32
      %dma_wait3A_135 = arith.constant 90112 : i32
      %dma_wait3A_136 = tpu.memref_slice %arg3[%dma_wait3A_134, %dma_wait3A_135] : memref<4096x100000xf32, #tpu.memory_space<any>> -> memref<128x8192xf32, #tpu.memory_space<any>>
      %dma_wait3A_137 = arith.constant 0 : i32
      %dma_wait3A_138 = arith.constant 0 : i32
      %dma_wait3A_139 = tpu.memref_slice %arg4[%dma_wait3A_130, %dma_wait3A_137, %dma_wait3A_138] : memref<8x128x8192xf32, #tpu.memory_space<vmem>> -> memref<1x128x8192xf32, #tpu.memory_space<vmem>>
      %dma_wait3A_140 = tpu.memref_squeeze %dma_wait3A_139 : memref<1x128x8192xf32, #tpu.memory_space<vmem>> -> memref<128x8192xf32, #tpu.memory_space<vmem>>
      tpu.wait_dma2 semaphore(%dma_wait3A_133 : memref<!tpu.dma_semaphore, #tpu.memory_space<semaphore_mem>>) src(%dma_wait3A_140 : memref<128x8192xf32, #tpu.memory_space<vmem>>) dst(%dma_wait3A_136 : memref<128x8192xf32, #tpu.memory_space<any>>)
    } else {
    }
    return
  }
}

</mosaic_0001>

<sc_bundles>
// kernel: kernel.7.cloned.1.call-start
scs
__scs_entry_jumppad:
0x0: {  	(pc) =	sbr.rel $0x88, $3  }
0x1: {  	(tag) =	ssettag $0x0;
	lr =	simm.s32 $0x1  }
0x2: {  	[smem:$0x3F9B] =	sst lr;
	_ =	strace $0xD0000000  }
0x3: {  	_ = 	snop  }
0x4: {  	_ = 	snop  }
0x5: {  	_ = 	snop  }
0x6: {  	_ = 	snop  }
0x7: {  	_ = 	snop  }
__scs_overlays_trampoline_lowered:
0x8: {  	[smem:$0x3FAA] =	sst s0  }
0x9: {  	[smem:$0x3FAB] =	sst s1  }
0xa: {  	[smem:$0x3FAC] =	sst s2  }
0xb: {  	[smem:$0x3FAD] =	sst s3  }
0xc: {  	[smem:$0x3FAE] =	sst s4  }
0xd: {  	[smem:$0x3FAF] =	sst s5  }
0xe: {  	[smem:$0x3FB0] =	sst s6  }
0xf: {  	[smem:$0x3FB1] =	sst s7  }
0x10: {  	[smem:$0x3FB2] =	sst s8  }
0x11: {  	[smem:$0x3FB3] =	sst s9;
	s0 =	simm.s32 @!p0 $0x0  }
0x12: {  	s1 =	sld [smem:$0x3F99];
	s0 =	simm.s32 @p0 $0x1  }
0x13: {  	[smem:$0x3FB4] =	sst s0;
	s0 =	simm.s32 @!p1 $0x0  }
0x14: {  	s2 =	sld [smem:$0x3F98];
	s0 =	simm.s32 @p1 $0x1  }
0x15: {  	[smem:$0x3FB5] =	sst s0;
	s0 =	simm.s32 @!p2 $0x0  }
0x16: {  	s3 =	sld [smem:$0x3FDB];
	s0 =	simm.s32 @p2 $0x1  }
0x17: {  	s4 =	simm.s32 $0x1BF5;
	[smem:$0x3FB7] =	sst s0  }
0x18: {  	s0 =	sld [smem:$0x3F9A];
	_ =	swait.ge [sflag:s4], $0x0  }
0x19: {  	s7 =	sld [smem:$0x3F9B]  }
0x1a: {  	s8 =	sadd.s32 $0xFFFFE003, lr  }
0x1b: {  	s9 =	sadd.s32 $0xFFFFFEF7, lr;
	s5 =	simm.s32 $0xFFFFFFFF;
	p2 =	slt.u32 s8, $0xFFFFF086  }
0x1c: {  	p1 =	slt.u32 s9, $0xF7A;
	s5 =	simm.s32 @!p2 $0x0  }
0x1d: {  	s5 =	simm.s32 @p1 $0x1;
	p0 =	seq.s32 s7, s2  }
0x1e: {  	s7 =	smul.u32 @!p0 $0xF7A, s2;
	p2 =	seq.s32 @!p0 s5, $0x0  }
0x1f: {  	s9 =	smul.u32 $0xF7A, s1;
	s8 =	simm.s32 @!p0 $0x1BF5;
	p2 =	por !p2, p0  }
0x20: {  	[sflag:s8] =	ssyncset.s32 @!p0 $0xFFFFF086;
	s6 =	sadd.s32 @!p0 s3, s7;
	s7 =	simm.s32 @!p0 $0x108  }
0x21: {  	s3 =	sadd.s32 s3, s9;
	s6 =	sadd.s32 @!p0 $0x88, s6;
	s7 =	simm.s32 @p2 $0x1082  }
0x22: {  	[simem:s7], [sflag:s8] =	dma.local @!p0 [hbm:s6], $0xF7A  }
0x23: {  	s9 =	sor.u32 $0xD0000000, s2;
	s6 =	simm.s32 $0x108;
	_ =	swait.ge @!p0 [sflag:s8], $0x0  }
0x24: {  	s3 =	sadd.s32 $0x88, s3;
	s6 =	simm.s32 @!p1 $0x1082;
	[sflag:s4] =	ssyncset.s32 $0xFFFFF086  }
0x25: {  	[simem:s6], [sflag:s4] =	dma.local [hbm:s3], $0xF7A  }
0x26: {  	[smem:$0x3F9B] =	sst s1;
	(tag) =	ssettag s2;
	_ =	strace s9  }
0x27: {  	s1 =	sld [smem:$0x3FAB]  }
0x28: {  	s2 =	sld [smem:$0x3FAC]  }
0x29: {  	s4 =	sld [smem:$0x3FAE]  }
0x2a: {  	p0 =	seq.s32 s5, $0x0;
	s5 =	sld [smem:$0x3FAF]  }
0x2b: {  	s6 =	sld [smem:$0x3FB0]  }
0x2c: {  	s7 =	sld [smem:$0x3FB1]  }
0x2d: {  	s3 =	simm.s32 $0x108;
	s8 =	sld [smem:$0x3FB2]  }
0x2e: {  	s3 =	simm.s32 @!p0 $0x1082;
	s9 =	sld [smem:$0x3FB3]  }
0x2f: {  	lr =	sadd.s32 s0, s3;
	s0 =	sld [smem:$0x3FAA]  }
0x30: {  	s3 =	sld [smem:$0x3FAD]  }
0x31: {  	[smem:$0x3FB6] =	sst s10  }
0x32: {  	s10 =	sld [smem:$0x3FB4];
	_ =	sdelay $0x3  }
0x33: {  	p0 =	seq.s32 s10, $0x1;
	s10 =	sld [smem:$0x3FB6];
	_ =	sdelay $0x3  }
0x34: {  	[smem:$0x3FB6] =	sst s10  }
0x35: {  	s10 =	sld [smem:$0x3FB5];
	_ =	sdelay $0x3  }
0x36: {  	p1 =	seq.s32 s10, $0x1;
	s10 =	sld [smem:$0x3FB6];
	_ =	sdelay $0x3  }
0x37: {  	[smem:$0x3FB6] =	sst s10  }
0x38: {  	s10 =	sld [smem:$0x3FB7]  }
0x39: {  	_ = 	snop;
	(pc) =	sbr.ind lr, $3  }
0x3a: {  	_ = 	snop  }
0x3b: {  	_ = 	snop  }
0x3c: {  	p2 =	seq.s32 s10, $0x1;
	s10 =	sld [smem:$0x3FB6]  }
0x3d: {  	_ =	shalt  }
0x3e: {  	_ =	shalt  }
0x3f: {  	_ =	shalt  }
0x40: {  	_ =	shalt  }
0x41: {  	_ =	shalt  }
0x42: {  	_ =	shalt  }
0x43: {  	_ =	shalt  }
0x44: {  	_ =	shalt  }
0x45: {  	_ =	shalt  }
0x46: {  	_ =	shalt  }
0x47: {  	_ =	shalt  }
0x48: {  	_ =	shalt  }
0x49: {  	_ =	shalt  }
0x4a: {  	_ =	shalt  }
0x4b: {  	_ =	shalt  }
0x4c: {  	_ =	shalt  }
0x4d: {  	_ =	shalt  }
0x4e: {  	_ =	shalt  }
0x4f: {  	_ =	shalt  }
0x50: {  	_ =	shalt  }
0x51: {  	_ =	shalt  }
0x52: {  	_ =	shalt  }
0x53: {  	_ =	shalt  }
0x54: {  	_ =	shalt  }
0x55: {  	_ =	shalt  }
0x56: {  	_ =	shalt  }
0x57: {  	_ =	shalt  }
0x58: {  	_ =	shalt  }
0x59: {  	_ =	shalt  }
0x5a: {  	_ =	shalt  }
0x5b: {  	_ =	shalt  }
0x5c: {  	_ =	shalt  }
0x5d: {  	_ =	shalt  }
0x5e: {  	_ =	shalt  }
0x5f: {  	_ =	shalt  }
0x60: {  	_ =	shalt  }
0x61: {  	_ =	shalt  }
0x62: {  	_ =	shalt  }
0x63: {  	_ =	shalt  }
0x64: {  	_ =	shalt  }
0x65: {  	_ =	shalt  }
0x66: {  	_ =	shalt  }
0x67: {  	_ =	shalt  }
0x68: {  	_ =	shalt  }
0x69: {  	_ =	shalt  }
0x6a: {  	_ =	shalt  }
0x6b: {  	_ =	shalt  }
0x6c: {  	_ =	shalt  }
0x6d: {  	_ =	shalt  }
0x6e: {  	_ =	shalt  }
0x6f: {  	_ =	shalt  }
0x70: {  	_ =	shalt  }
0x71: {  	_ =	shalt  }
0x72: {  	_ =	shalt  }
0x73: {  	_ =	shalt  }
0x74: {  	_ =	shalt  }
0x75: {  	_ =	shalt  }
0x76: {  	_ =	shalt  }
0x77: {  	_ =	shalt  }
0x78: {  	_ =	shalt  }
0x79: {  	_ =	shalt  }
0x7a: {  	_ =	shalt  }
0x7b: {  	_ =	shalt  }
0x7c: {  	_ =	shalt  }
0x7d: {  	_ =	shalt  }
0x7e: {  	_ =	shalt  }
0x7f: {  	_ =	shalt  }
0x80: {  	_ =	shalt  }
0x81: {  	_ =	shalt  }
0x82: {  	_ =	shalt  }
0x83: {  	_ =	shalt  }
0x84: {  	_ =	shalt  }
0x85: {  	_ =	shalt  }
0x86: {  	_ =	shalt  }
0x87: {  	_ =	shalt  }
.Lfunc_end0:
.L_simem_size_0:
called_computation_lowered:
.L_overlay_start_0:
0x88: {  	s2 =	sld [smem:$0x3FD9]  }
0x89: {  	s3 =	sld [smem:$0x3FFE];
	_ =	sdelay $0x1  }
0x8a: {  	s1 =	srdreg.scid  }
0x8b: {  	s0 =	sand.u32 $0x1, s1  }
0x8c: {  	s16 =	sshll.u32 s0, $0xA;
	s2 =	sadd.s32 s3, s2  }
0x8d: {  	s2 =	sadd.s32 s2, s16  }
0x8e: {  	[smem:$0x3FC2] =	sst s2  }
0x8f: {  	_ = 	snop  }
0x90: {  	(tm) =	ssettm $0x1  }
0x91: {  	s17 =	sld [smem:$0x3FFB];
	_ =	sdelay $0x3  }
0x92: {  	_ =	strace s17  }
0x93: {  	s2 =	sld [smem:$0x3FFC];
	_ =	sdelay $0x3  }
0x94: {  	_ =	strace s2  }
0x95: {  	s2 =	sld [smem:$0x3FFD];
	_ =	sdelay $0x3  }
0x96: {  	_ =	strace s2  }
0x97: {  	_ =	strace $0x8FFFFFFF  }
0x98: {  	s18 =	sld [smem:$0x3FDB];
	_ =	sdelay $0x1  }
0x99: {  	s19 =	simm.s32 $_scs_section_size  }
0x9a: {  	s4 =	simm.s32 $_size__tile_overlayer_lowered;
	s5 =	simm.s32 $_tile_overlayer_lowered  }
0x9b: {  	s22 =	simm.s32 $0x1BFF;
	s21 =	sshll.u32 s5, $0x1;
	s2 =	sadd.s32 s19, s18  }
0x9c: {  	s6 =	simm.s32 $0x0;
	s20 =	sshll.u32 s4, $0x1;
	s4 =	sadd.s32 s21, s2  }
0x9d: {  	[timem:s6], [sflag:s22] =	dma.local [hbm:s4], s20  }
0x9e: {  	_ =	swait.ge [sflag:s22], s20  }
0x9f: {  	s3 =	ssub.s32 $0x0, s20;
	[sflag:s22] =	ssyncset.done $0x0  }
0xa0: {  	[sflag:s22] =	ssyncadd.s32 s3;
	_ =	sdelay $0x1  }
0xa1: {  	s23 =	simm.s32 $0x1B8B  }
0xa2: {  	_ =	swait.ge [sflag:s23], $0x1  }
0xa3: {  	[sflag:s23] =	ssyncset.done $0x0  }
0xa4: {  	s25 =	simm.s32 $0x1B8E;
	s24 =	sld [smem:$0x3FFE];
	[sflag:s23] =	ssyncadd.s32 $0xFFFFFFFF  }
0xa5: {  	s26 =	simm.s32 $execute0_lowered;
	[smem:$0x3FD2] =	sst s25  }
0xa6: {  	s4 =	sshll.u32 s26, $0x1;
	_ =	strace $0x80000046;
	[dreg:$0x1] =	wrdreg $0xFFFFFFFF  }
0xa7: {  	s28 =	simm.s32 $_size_execute0_lowered;
	s2 =	sadd.s32 s2, s4;
	[dreg:$0x0] =	wrdreg $0x0  }
0xa8: {  	s4 =	sshll.u32 s28, $0x1;
	[dreg:$0x2] =	wrdreg s2  }
0xa9: {  	[dreg:$0x3] =	wrdreg s4  }
0xaa: {  	[dreg:$0x4] =	wrdreg $0xC0  }
0xab: {  	_ =	task [dreg:s6], $0x5FFFF  }
0xac: {  	[dreg:$0x1] =	wrdreg $0xFFFFFFFF  }
0xad: {  	[dreg:$0x0] =	wrdreg $0x60  }
0xae: {  	[dreg:$0x2] =	wrdreg s24  }
0xaf: {  	[dreg:$0x3] =	wrdreg $0x9  }
0xb0: {  	_ =	task.clear_ibuf [dreg:s6], $0x4FFFF;
	_ =	strace $0x90000046  }
0xb1: {  	s29 =	simm.s32 $0x9;
	_ =	strace $0x80000048  }
0xb2: {  	_ =	swait.ge [sflag:s29], $0x1  }
0xb3: {  	[sflag:s29] =	ssyncadd.s32 $0xFFFFFFFF  }
0xb4: {  	_ =	strace $0x90000048  }
0xb5: {  	_ =	sfence  }
0xb6: {  	s30 =	sld [smem:$0x0];
	_ =	sdelay $0x2  }
0xb7: {  	s31 =	sshll.u32 s1, $0xD;
	s1 =	sshrl.u32 s1, $0x2  }
0xb8: {  	s3 =	sand.u32 $0x4000, s31;
	s1 =	sadd.s32 s1, s30  }
0xb9: {  	s0 =	sor.u32 s3, s0;
	s1 =	sshll.u32 s1, $0x11  }
0xba: {  	s0 =	sor.u32 s1, s0  }
0xbb: {  	s0 =	sadd.s32 $0x8F2B, s0  }
0xbc: {  	[sflag:s0] =	ssyncadd.remote.s32 $0x1  }
0xbd: {  	_ =	sfence.sel $0xFFFF  }
0xbe: {  	[dreg:$0x0] =	wrdreg $0xFFFFFFFF;
	(pc) =	sbr.abs _section_cstart, $3  }
0xbf: {  	[dreg:$0x1] =	wrdreg $0xFFFFFFFF  }
0xc0: {  	_ =	task.clear_ibuf [dreg:s6], $0x2FFFF;
	_ =	strace $0x9FFFFFFF  }
0xc1: {  	(tm) =	ssettm $0x7FFFFFFF  }
tec
execute0_lowered:
.L_overlay_start_1:
0x0: {  	(tag) =	ssettag $0x1  }
0x1: {  	s0 =	srdreg.scid  }
0x2: {  	s2 =	stileid.u32;
	s1 =	rddreg [dreg:$0x0];
	s8 =	simm.s32 $0x80  }
0x3: {  	s9 =	simm.s32 $0x4A00;
	s29 =	simm.s32 $0x100;
	s10 =	simm.s32 $0x8A00  }
0x4: {  	s30 =	simm.s32 $0x180;
	s11 =	simm.s32 $0xCA00;
	s31 =	simm.s32 $0x200  }
0x5: {  	s12 =	simm.s32 $0x10A00;
	s7 =	simm.s32 $0x1;
	s23 =	simm.s32 $0x280  }
0x6: {  	s28 =	simm.s32 $0x480;
	s18 =	simm.s32 $0x500;
	s19 =	simm.s32 $0x580  }
0x7: {  	s20 =	simm.s32 $0x600;
	s21 =	simm.s32 $0x680;
	p0 =	por $0x0, $0x0  }
0x8: {  	s22 =	simm.s32 $0x700;
	s13 =	simm.s32 $0x780;
	s14 =	simm.s32 $0x800  }
0x9: {  	s15 =	simm.s32 $0x880;
	s0 =	sand.u32 $0x1, s0;
	s3 =	sshll.u32 s2, $0x1  }
0xa: {  	s16 =	simm.s32 $0x900;
	s2 =	simm.s32 $0x0;
	s4 =	sor.u32 s0, s3  }
0xb: {  	s17 =	simm.s32 $0x980;
	[smem:$0x7FF] =	sst s2;
	s5 =	smul.u32 $0x140, s4  }
0xc: {  	s3 =	sadd.s32 $0x3200, s1;
	s0 =	ssub.s32 $0x2, s0;
	s6 =	smul.u32 $0x50000, s4  }
0xd: {  	_ =	strace $0x80000047;
	s4 =	smul.u32 $0xA000, s4;
	s24 =	sshrl.u32 s0, $0x1  }
0xe: {  	s0 =	ssub.s32 s0, s24;
	s24 =	simm.s32 $0x300;
	s5 =	sadd.s32 s5, s1  }
0xf: {  	s1 =	sadd.s32 $0x189C00, s1;
	s6 =	sshrl.u32 s6, $0x3;
	s0 =	smax.u32 s0, $0x1  }
0x10: {  	s5 =	sadd.s32 $0xA00, s5;
	s4 =	sadd.s32 s1, s4;
	p1 =	sne.s32 s0, $0x1  }
.Ltmp0:
0x11: {  	s1 =	sadd.s32 s1, s6;
	[dreg:$0x2] =	wrdreg s5;
	(pc) =	sbr.rel @!p1 .LBB2_3-.Ltmp0, $4  }
0x12: {  	s6 =	simm.s32 $0xA00;
	[dreg:$0x3] =	wrdreg s4;
	s25 =	sadd.s32 $0x2800, s1  }
0x13: {  	s26 =	sadd.s32 $0x5000, s1;
	s5 =	sadd.s32 $0x7800, s1;
	[dreg:$0x4] =	wrdreg s25  }
0x14: {  	s4 =	simm.s32 $0x2;
	s1 =	sadd.s32 $0xFFFFFFFF, s0;
	[dreg:$0x5] =	wrdreg s26  }
0x15: {  	s25 =	simm.s32 $0x380;
	s26 =	simm.s32 $0x400;
	s0 =	rddreg [dreg:$0x2]  }
0x16: {  	[tilespmem:s2], [sflag:$0x2] =	stream.linear.gather [hbm4b:s0+s2], $0xA00, $0x38;
	[tilespmem:$0x14A00] =	vst v63  }
0x17: {  	_ =	swait.ge [sflag:s4], $0xA00  }
0x18: {  	[sflag:s4] =	ssyncset.done $0x0  }
0x19: {  	[sflag:s4] =	ssyncadd.s32 $0xFFFFF600  }
0x1a: {  	[tilespmem:s6], [sflag:$0x1] =	stream.indirect.gather [hbm4b:s3+s8], $0x80, s2, s8, $0xb8;
	[tilespmem:$0x14A00] =	vst v63  }
0x1b: {  	_ = 	snop  }
0x1c: {  	[tilespmem:s9], [sflag:$0x1] =	stream.indirect.gather [hbm4b:s3+s8], $0x80, s8, s8, $0xb8;
	[tilespmem:$0x14A00] =	vst v63  }
0x1d: {  	_ = 	snop  }
0x1e: {  	[tilespmem:s10], [sflag:$0x1] =	stream.indirect.gather [hbm4b:s3+s8], $0x80, s29, s8, $0xb8;
	[tilespmem:$0x14A00] =	vst v63  }
0x1f: {  	_ = 	snop  }
0x20: {  	[tilespmem:s11], [sflag:$0x1] =	stream.indirect.gather [hbm4b:s3+s8], $0x80, s30, s8, $0xb8;
	[tilespmem:$0x14A00] =	vst v63  }
0x21: {  	_ = 	snop  }
0x22: {  	[tilespmem:s12], [sflag:$0x1] =	stream.indirect.gather [hbm4b:s3+s8], $0x80, s31, s8, $0xb8;
	[tilespmem:$0x14A00] =	vst v63  }
0x23: {  	_ =	swait.ge [sflag:s7], $0x4000  }
0x24: {  	[sflag:s7] =	ssyncset.done $0x0  }
0x25: {  	[sflag:s7] =	ssyncadd.s32 $0xFFFFC000  }
0x26: {  	_ =	swait.ge [sflag:s7], $0x4000  }
0x27: {  	[sflag:s7] =	ssyncset.done $0x0  }
0x28: {  	[sflag:s7] =	ssyncadd.s32 $0xFFFFC000  }
0x29: {  	_ =	swait.ge [sflag:s7], $0x4000  }
0x2a: {  	[sflag:s7] =	ssyncset.done $0x0  }
0x2b: {  	[sflag:s7] =	ssyncadd.s32 $0xFFFFC000  }
0x2c: {  	_ =	swait.ge [sflag:s7], $0x4000  }
0x2d: {  	[sflag:s7] =	ssyncset.done $0x0  }
0x2e: {  	[sflag:s7] =	ssyncadd.s32 $0xFFFFC000  }
0x2f: {  	_ =	swait.ge [sflag:s7], $0x4000  }
0x30: {  	[sflag:s7] =	ssyncset.done $0x0  }
0x31: {  	s0 =	rddreg [dreg:$0x3];
	[sflag:s7] =	ssyncadd.s32 $0xFFFFC000  }
0x32: {  	[hbm4b:s0+s2] =	stream.linear.scatter [tilespmem:s6], [sflag:$0x2], $0x14000, $0x38;
	[tilespmem:$0x14A00] =	vst v63  }
0x33: {  	_ =	swait.ge [sflag:s4], $0x14000  }
0x34: {  	[sflag:s4] =	ssyncset.done $0x0  }
0x35: {  	[sflag:s4] =	ssyncadd.s32 $0xFFFEC000  }
0x36: {  	[tilespmem:s6], [sflag:$0x1] =	stream.indirect.gather [hbm4b:s3+s8], $0x80, s23, s8, $0xb8;
	[tilespmem:$0x14A00] =	vst v63  }
0x37: {  	_ = 	snop  }
0x38: {  	[tilespmem:s9], [sflag:$0x1] =	stream.indirect.gather [hbm4b:s3+s8], $0x80, s24, s8, $0xb8;
	[tilespmem:$0x14A00] =	vst v63  }
0x39: {  	_ = 	snop  }
0x3a: {  	[tilespmem:s10], [sflag:$0x1] =	stream.indirect.gather [hbm4b:s3+s8], $0x80, s25, s8, $0xb8;
	[tilespmem:$0x14A00] =	vst v63  }
0x3b: {  	_ = 	snop  }
0x3c: {  	[tilespmem:s11], [sflag:$0x1] =	stream.indirect.gather [hbm4b:s3+s8], $0x80, s26, s8, $0xb8;
	[tilespmem:$0x14A00] =	vst v63  }
0x3d: {  	_ = 	snop  }
0x3e: {  	[tilespmem:s12], [sflag:$0x1] =	stream.indirect.gather [hbm4b:s3+s8], $0x80, s28, s8, $0xb8;
	[tilespmem:$0x14A00] =	vst v63  }
0x3f: {  	_ =	swait.ge [sflag:s7], $0x4000  }
0x40: {  	[sflag:s7] =	ssyncset.done $0x0  }
0x41: {  	[sflag:s7] =	ssyncadd.s32 $0xFFFFC000  }
0x42: {  	_ =	swait.ge [sflag:s7], $0x4000  }
0x43: {  	[sflag:s7] =	ssyncset.done $0x0  }
0x44: {  	[sflag:s7] =	ssyncadd.s32 $0xFFFFC000  }
0x45: {  	_ =	swait.ge [sflag:s7], $0x4000  }
0x46: {  	[sflag:s7] =	ssyncset.done $0x0  }
0x47: {  	[sflag:s7] =	ssyncadd.s32 $0xFFFFC000  }
0x48: {  	_ =	swait.ge [sflag:s7], $0x4000  }
0x49: {  	[sflag:s7] =	ssyncset.done $0x0  }
0x4a: {  	[sflag:s7] =	ssyncadd.s32 $0xFFFFC000  }
0x4b: {  	_ =	swait.ge [sflag:s7], $0x4000  }
0x4c: {  	[sflag:s7] =	ssyncset.done $0x0  }
0x4d: {  	s0 =	rddreg [dreg:$0x4];
	[sflag:s7] =	ssyncadd.s32 $0xFFFFC000  }
0x4e: {  	[hbm4b:s0+s2] =	stream.linear.scatter [tilespmem:s6], [sflag:$0x2], $0x14000, $0x38;
	[tilespmem:$0x14A00] =	vst v63  }
0x4f: {  	_ =	swait.ge [sflag:s4], $0x14000  }
0x50: {  	[sflag:s4] =	ssyncset.done $0x0  }
0x51: {  	[sflag:s4] =	ssyncadd.s32 $0xFFFEC000  }
0x52: {  	[tilespmem:s6], [sflag:$0x1] =	stream.indirect.gather [hbm4b:s3+s8], $0x80, s18, s8, $0xb8;
	[tilespmem:$0x14A00] =	vst v63  }
0x53: {  	_ = 	snop  }
0x54: {  	[tilespmem:s9], [sflag:$0x1] =	stream.indirect.gather [hbm4b:s3+s8], $0x80, s19, s8, $0xb8;
	[tilespmem:$0x14A00] =	vst v63  }
0x55: {  	_ = 	snop  }
0x56: {  	[tilespmem:s10], [sflag:$0x1] =	stream.indirect.gather [hbm4b:s3+s8], $0x80, s20, s8, $0xb8;
	[tilespmem:$0x14A00] =	vst v63  }
0x57: {  	_ = 	snop  }
0x58: {  	[tilespmem:s11], [sflag:$0x1] =	stream.indirect.gather [hbm4b:s3+s8], $0x80, s21, s8, $0xb8;
	[tilespmem:$0x14A00] =	vst v63  }
0x59: {  	_ = 	snop  }
0x5a: {  	[tilespmem:s12], [sflag:$0x1] =	stream.indirect.gather [hbm4b:s3+s8], $0x80, s22, s8, $0xb8;
	[tilespmem:$0x14A00] =	vst v63  }
0x5b: {  	_ =	swait.ge [sflag:s7], $0x4000  }
0x5c: {  	[sflag:s7] =	ssyncset.done $0x0  }
0x5d: {  	[sflag:s7] =	ssyncadd.s32 $0xFFFFC000  }
0x5e: {  	_ =	swait.ge [sflag:s7], $0x4000  }
0x5f: {  	[sflag:s7] =	ssyncset.done $0x0  }
0x60: {  	[sflag:s7] =	ssyncadd.s32 $0xFFFFC000  }
0x61: {  	_ =	swait.ge [sflag:s7], $0x4000  }
0x62: {  	[sflag:s7] =	ssyncset.done $0x0  }
0x63: {  	[sflag:s7] =	ssyncadd.s32 $0xFFFFC000  }
0x64: {  	_ =	swait.ge [sflag:s7], $0x4000  }
0x65: {  	[sflag:s7] =	ssyncset.done $0x0  }
0x66: {  	[sflag:s7] =	ssyncadd.s32 $0xFFFFC000  }
0x67: {  	_ =	swait.ge [sflag:s7], $0x4000  }
0x68: {  	[sflag:s7] =	ssyncset.done $0x0  }
0x69: {  	s0 =	rddreg [dreg:$0x5];
	[sflag:s7] =	ssyncadd.s32 $0xFFFFC000  }
0x6a: {  	[hbm4b:s0+s2] =	stream.linear.scatter [tilespmem:s6], [sflag:$0x2], $0x14000, $0x38;
	[tilespmem:$0x14A00] =	vst v63  }
0x6b: {  	_ =	swait.ge [sflag:s4], $0x14000  }
0x6c: {  	[sflag:s4] =	ssyncset.done $0x0  }
0x6d: {  	[sflag:s4] =	ssyncadd.s32 $0xFFFEC000  }
0x6e: {  	[tilespmem:s6], [sflag:$0x1] =	stream.indirect.gather [hbm4b:s3+s8], $0x80, s13, s8, $0xb8;
	[tilespmem:$0x14A00] =	vst v63  }
0x6f: {  	_ = 	snop  }
0x70: {  	[tilespmem:s9], [sflag:$0x1] =	stream.indirect.gather [hbm4b:s3+s8], $0x80, s14, s8, $0xb8;
	[tilespmem:$0x14A00] =	vst v63  }
0x71: {  	_ = 	snop  }
0x72: {  	[tilespmem:s10], [sflag:$0x1] =	stream.indirect.gather [hbm4b:s3+s8], $0x80, s15, s8, $0xb8;
	[tilespmem:$0x14A00] =	vst v63  }
0x73: {  	_ = 	snop  }
0x74: {  	[tilespmem:s11], [sflag:$0x1] =	stream.indirect.gather [hbm4b:s3+s8], $0x80, s16, s8, $0xb8;
	[tilespmem:$0x14A00] =	vst v63  }
0x75: {  	_ = 	snop  }
0x76: {  	[tilespmem:s12], [sflag:$0x1] =	stream.indirect.gather [hbm4b:s3+s8], $0x80, s17, s8, $0xb8;
	[tilespmem:$0x14A00] =	vst v63  }
0x77: {  	_ =	swait.ge [sflag:s7], $0x4000  }
0x78: {  	[sflag:s7] =	ssyncset.done $0x0  }
0x79: {  	[sflag:s7] =	ssyncadd.s32 $0xFFFFC000  }
0x7a: {  	_ =	swait.ge [sflag:s7], $0x4000  }
0x7b: {  	[sflag:s7] =	ssyncset.done $0x0  }
0x7c: {  	[sflag:s7] =	ssyncadd.s32 $0xFFFFC000  }
0x7d: {  	_ =	swait.ge [sflag:s7], $0x4000  }
0x7e: {  	[sflag:s7] =	ssyncset.done $0x0  }
0x7f: {  	[sflag:s7] =	ssyncadd.s32 $0xFFFFC000  }
0x80: {  	_ =	swait.ge [sflag:s7], $0x4000  }
0x81: {  	[sflag:s7] =	ssyncset.done $0x0  }
0x82: {  	[sflag:s7] =	ssyncadd.s32 $0xFFFFC000  }
0x83: {  	p1 =	sne.s32 s1, $0x1;
	_ =	swait.ge [sflag:s7], $0x4000  }
.Ltmp1:
0x84: {  	[sflag:s7] =	ssyncset.done $0x0;
	(pc) =	sbr.rel @!p1 .LBB2_3-.Ltmp1, $4  }
0x85: {  	[sflag:s7] =	ssyncadd.s32 $0xFFFFC000  }
0x86: {  	[hbm4b:s5+s2] =	stream.linear.scatter [tilespmem:s6], [sflag:$0x2], $0x14000, $0x38;
	[tilespmem:$0x14A00] =	vst v63  }
0x87: {  	s1 =	sadd.s32 $0xFFFFFFFF, s1;
	_ =	swait.ge [sflag:s4], $0x14000  }
0x88: {  	p0 =	por $0x1, $0x1;
	s0 =	rddreg [dreg:$0x2];
	[sflag:s4] =	ssyncset.done $0x0  }
.LBB2_2:
0x89: {  	[sflag:s4] =	ssyncadd.s32 $0xFFFEC000  }
0x8a: {  	[tilespmem:s2], [sflag:$0x2] =	stream.linear.gather [hbm4b:s0+s2], $0xA00, $0x38;
	[tilespmem:$0x14A00] =	vst v63  }
0x8b: {  	_ =	swait.ge [sflag:s4], $0xA00  }
0x8c: {  	[sflag:s4] =	ssyncset.done $0x0  }
0x8d: {  	[sflag:s4] =	ssyncadd.s32 $0xFFFFF600  }
0x8e: {  	[tilespmem:s6], [sflag:$0x1] =	stream.indirect.gather [hbm4b:s3+s8], $0x80, s2, s8, $0xb8;
	[tilespmem:$0x14A00] =	vst v63  }
0x8f: {  	_ = 	snop  }
0x90: {  	[tilespmem:s9], [sflag:$0x1] =	stream.indirect.gather [hbm4b:s3+s8], $0x80, s8, s8, $0xb8;
	[tilespmem:$0x14A00] =	vst v63  }
0x91: {  	_ = 	snop  }
0x92: {  	[tilespmem:s10], [sflag:$0x1] =	stream.indirect.gather [hbm4b:s3+s8], $0x80, s29, s8, $0xb8;
	[tilespmem:$0x14A00] =	vst v63  }
0x93: {  	_ = 	snop  }
0x94: {  	[tilespmem:s11], [sflag:$0x1] =	stream.indirect.gather [hbm4b:s3+s8], $0x80, s30, s8, $0xb8;
	[tilespmem:$0x14A00] =	vst v63  }
0x95: {  	_ = 	snop  }
0x96: {  	[tilespmem:s12], [sflag:$0x1] =	stream.indirect.gather [hbm4b:s3+s8], $0x80, s31, s8, $0xb8;
	[tilespmem:$0x14A00] =	vst v63  }
0x97: {  	_ =	swait.ge [sflag:s7], $0x4000  }
0x98: {  	[sflag:s7] =	ssyncset.done $0x0  }
0x99: {  	[sflag:s7] =	ssyncadd.s32 $0xFFFFC000  }
0x9a: {  	_ =	swait.ge [sflag:s7], $0x4000  }
0x9b: {  	[sflag:s7] =	ssyncset.done $0x0  }
0x9c: {  	[sflag:s7] =	ssyncadd.s32 $0xFFFFC000  }
0x9d: {  	_ =	swait.ge [sflag:s7], $0x4000  }
0x9e: {  	[sflag:s7] =	ssyncset.done $0x0  }
0x9f: {  	[sflag:s7] =	ssyncadd.s32 $0xFFFFC000  }
0xa0: {  	_ =	swait.ge [sflag:s7], $0x4000  }
0xa1: {  	[sflag:s7] =	ssyncset.done $0x0  }
0xa2: {  	[sflag:s7] =	ssyncadd.s32 $0xFFFFC000  }
0xa3: {  	_ =	swait.ge [sflag:s7], $0x4000  }
0xa4: {  	[sflag:s7] =	ssyncset.done $0x0  }
0xa5: {  	s0 =	rddreg [dreg:$0x3];
	[sflag:s7] =	ssyncadd.s32 $0xFFFFC000  }
0xa6: {  	[hbm4b:s0+s2] =	stream.linear.scatter [tilespmem:s6], [sflag:$0x2], $0x14000, $0x38;
	[tilespmem:$0x14A00] =	vst v63  }
0xa7: {  	_ =	swait.ge [sflag:s4], $0x14000  }
0xa8: {  	[sflag:s4] =	ssyncset.done $0x0  }
0xa9: {  	[sflag:s4] =	ssyncadd.s32 $0xFFFEC000  }
0xaa: {  	[tilespmem:s6], [sflag:$0x1] =	stream.indirect.gather [hbm4b:s3+s8], $0x80, s23, s8, $0xb8;
	[tilespmem:$0x14A00] =	vst v63  }
0xab: {  	_ = 	snop  }
0xac: {  	[tilespmem:s9], [sflag:$0x1] =	stream.indirect.gather [hbm4b:s3+s8], $0x80, s24, s8, $0xb8;
	[tilespmem:$0x14A00] =	vst v63  }
0xad: {  	_ = 	snop  }
0xae: {  	[tilespmem:s10], [sflag:$0x1] =	stream.indirect.gather [hbm4b:s3+s8], $0x80, s25, s8, $0xb8;
	[tilespmem:$0x14A00] =	vst v63  }
0xaf: {  	_ = 	snop  }
0xb0: {  	[tilespmem:s11], [sflag:$0x1] =	stream.indirect.gather [hbm4b:s3+s8], $0x80, s26, s8, $0xb8;
	[tilespmem:$0x14A00] =	vst v63  }
0xb1: {  	_ = 	snop  }
0xb2: {  	[tilespmem:s12], [sflag:$0x1] =	stream.indirect.gather [hbm4b:s3+s8], $0x80, s28, s8, $0xb8;
	[tilespmem:$0x14A00] =	vst v63  }
0xb3: {  	_ =	swait.ge [sflag:s7], $0x4000  }
0xb4: {  	[sflag:s7] =	ssyncset.done $0x0  }
0xb5: {  	[sflag:s7] =	ssyncadd.s32 $0xFFFFC000  }
0xb6: {  	_ =	swait.ge [sflag:s7], $0x4000  }
0xb7: {  	[sflag:s7] =	ssyncset.done $0x0  }
0xb8: {  	[sflag:s7] =	ssyncadd.s32 $0xFFFFC000  }
0xb9: {  	_ =	swait.ge [sflag:s7], $0x4000  }
0xba: {  	[sflag:s7] =	ssyncset.done $0x0  }
0xbb: {  	[sflag:s7] =	ssyncadd.s32 $0xFFFFC000  }
0xbc: {  	_ =	swait.ge [sflag:s7], $0x4000  }
0xbd: {  	[sflag:s7] =	ssyncset.done $0x0  }
0xbe: {  	[sflag:s7] =	ssyncadd.s32 $0xFFFFC000  }
0xbf: {  	_ =	swait.ge [sflag:s7], $0x4000  }
0xc0: {  	[sflag:s7] =	ssyncset.done $0x0  }
0xc1: {  	s0 =	rddreg [dreg:$0x4];
	[sflag:s7] =	ssyncadd.s32 $0xFFFFC000  }
0xc2: {  	[hbm4b:s0+s2] =	stream.linear.scatter [tilespmem:s6], [sflag:$0x2], $0x14000, $0x38;
	[tilespmem:$0x14A00] =	vst v63  }
0xc3: {  	_ =	swait.ge [sflag:s4], $0x14000  }
0xc4: {  	[sflag:s4] =	ssyncset.done $0x0  }
0xc5: {  	[sflag:s4] =	ssyncadd.s32 $0xFFFEC000  }
0xc6: {  	[tilespmem:s6], [sflag:$0x1] =	stream.indirect.gather [hbm4b:s3+s8], $0x80, s18, s8, $0xb8;
	[tilespmem:$0x14A00] =	vst v63  }
0xc7: {  	_ = 	snop  }
0xc8: {  	[tilespmem:s9], [sflag:$0x1] =	stream.indirect.gather [hbm4b:s3+s8], $0x80, s19, s8, $0xb8;
	[tilespmem:$0x14A00] =	vst v63  }
0xc9: {  	_ = 	snop  }
0xca: {  	[tilespmem:s10], [sflag:$0x1] =	stream.indirect.gather [hbm4b:s3+s8], $0x80, s20, s8, $0xb8;
	[tilespmem:$0x14A00] =	vst v63  }
0xcb: {  	_ = 	snop  }
0xcc: {  	[tilespmem:s11], [sflag:$0x1] =	stream.indirect.gather [hbm4b:s3+s8], $0x80, s21, s8, $0xb8;
	[tilespmem:$0x14A00] =	vst v63  }
0xcd: {  	_ = 	snop  }
0xce: {  	[tilespmem:s12], [sflag:$0x1] =	stream.indirect.gather [hbm4b:s3+s8], $0x80, s22, s8, $0xb8;
	[tilespmem:$0x14A00] =	vst v63  }
0xcf: {  	_ =	swait.ge [sflag:s7], $0x4000  }
0xd0: {  	[sflag:s7] =	ssyncset.done $0x0  }
0xd1: {  	[sflag:s7] =	ssyncadd.s32 $0xFFFFC000  }
0xd2: {  	_ =	swait.ge [sflag:s7], $0x4000  }
0xd3: {  	[sflag:s7] =	ssyncset.done $0x0  }
0xd4: {  	[sflag:s7] =	ssyncadd.s32 $0xFFFFC000  }
0xd5: {  	_ =	swait.ge [sflag:s7], $0x4000  }
0xd6: {  	[sflag:s7] =	ssyncset.done $0x0  }
0xd7: {  	[sflag:s7] =	ssyncadd.s32 $0xFFFFC000  }
0xd8: {  	_ =	swait.ge [sflag:s7], $0x4000  }
0xd9: {  	[sflag:s7] =	ssyncset.done $0x0  }
0xda: {  	[sflag:s7] =	ssyncadd.s32 $0xFFFFC000  }
0xdb: {  	_ =	swait.ge [sflag:s7], $0x4000  }
0xdc: {  	[sflag:s7] =	ssyncset.done $0x0  }
0xdd: {  	s0 =	rddreg [dreg:$0x5];
	[sflag:s7] =	ssyncadd.s32 $0xFFFFC000  }
0xde: {  	[hbm4b:s0+s2] =	stream.linear.scatter [tilespmem:s6], [sflag:$0x2], $0x14000, $0x38;
	[tilespmem:$0x14A00] =	vst v63  }
0xdf: {  	_ =	swait.ge [sflag:s4], $0x14000  }
0xe0: {  	[sflag:s4] =	ssyncset.done $0x0  }
0xe1: {  	[sflag:s4] =	ssyncadd.s32 $0xFFFEC000  }
0xe2: {  	[tilespmem:s6], [sflag:$0x1] =	stream.indirect.gather [hbm4b:s3+s8], $0x80, s13, s8, $0xb8;
	[tilespmem:$0x14A00] =	vst v63  }
0xe3: {  	_ = 	snop  }
0xe4: {  	[tilespmem:s9], [sflag:$0x1] =	stream.indirect.gather [hbm4b:s3+s8], $0x80, s14, s8, $0xb8;
	[tilespmem:$0x14A00] =	vst v63  }
0xe5: {  	_ = 	snop  }
0xe6: {  	[tilespmem:s10], [sflag:$0x1] =	stream.indirect.gather [hbm4b:s3+s8], $0x80, s15, s8, $0xb8;
	[tilespmem:$0x14A00] =	vst v63  }
0xe7: {  	_ = 	snop  }
0xe8: {  	[tilespmem:s11], [sflag:$0x1] =	stream.indirect.gather [hbm4b:s3+s8], $0x80, s16, s8, $0xb8;
	[tilespmem:$0x14A00] =	vst v63  }
0xe9: {  	_ = 	snop  }
0xea: {  	[tilespmem:s12], [sflag:$0x1] =	stream.indirect.gather [hbm4b:s3+s8], $0x80, s17, s8, $0xb8;
	[tilespmem:$0x14A00] =	vst v63  }
0xeb: {  	_ =	swait.ge [sflag:s7], $0x4000  }
0xec: {  	[sflag:s7] =	ssyncset.done $0x0  }
0xed: {  	[sflag:s7] =	ssyncadd.s32 $0xFFFFC000  }
0xee: {  	_ =	swait.ge [sflag:s7], $0x4000  }
0xef: {  	[sflag:s7] =	ssyncset.done $0x0  }
0xf0: {  	[sflag:s7] =	ssyncadd.s32 $0xFFFFC000  }
0xf1: {  	_ =	swait.ge [sflag:s7], $0x4000  }
0xf2: {  	[sflag:s7] =	ssyncset.done $0x0  }
0xf3: {  	[sflag:s7] =	ssyncadd.s32 $0xFFFFC000  }
0xf4: {  	_ =	swait.ge [sflag:s7], $0x4000  }
0xf5: {  	[sflag:s7] =	ssyncset.done $0x0  }
0xf6: {  	[sflag:s7] =	ssyncadd.s32 $0xFFFFC000  }
0xf7: {  	p1 =	sne.s32 s1, $0x1;
	_ =	swait.ge [sflag:s7], $0x4000  }
.Ltmp2:
0xf8: {  	[sflag:s7] =	ssyncset.done $0x0;
	(pc) =	sbr.rel @p1 .LBB2_2-.Ltmp2, $4  }
0xf9: {  	[sflag:s7] =	ssyncadd.s32 $0xFFFFC000  }
0xfa: {  	[hbm4b:s5+s2] =	stream.linear.scatter [tilespmem:s6], [sflag:$0x2], $0x14000, $0x38;
	[tilespmem:$0x14A00] =	vst v63  }
0xfb: {  	_ =	swait.ge [sflag:s4], $0x14000  }
0xfc: {  	s1 =	sadd.s32 $0xFFFFFFFF, s1;
	s0 =	rddreg [dreg:$0x2];
	[sflag:s4] =	ssyncset.done $0x0  }
.LBB2_3:
0xfd: {  	[sflag:s4] =	ssyncadd.s32 @p0 $0xFFFEC000  }
0xfe: {  	[tilespmem:s2], [sflag:$0x2] =	stream.linear.gather [hbm4b:s0+s2], $0xA00, $0x38;
	[tilespmem:$0x14A00] =	vst v63  }
0xff: {  	_ =	swait.ge [sflag:s4], $0xA00  }
0x100: {  	[sflag:s4] =	ssyncset.done $0x0  }
0x101: {  	[sflag:s4] =	ssyncadd.s32 $0xFFFFF600  }
0x102: {  	[tilespmem:s6], [sflag:$0x1] =	stream.indirect.gather [hbm4b:s3+s8], $0x80, s2, s8, $0xb8;
	[tilespmem:$0x14A00] =	vst v63  }
0x103: {  	_ = 	snop  }
0x104: {  	[tilespmem:s9], [sflag:$0x1] =	stream.indirect.gather [hbm4b:s3+s8], $0x80, s8, s8, $0xb8;
	[tilespmem:$0x14A00] =	vst v63  }
0x105: {  	_ = 	snop  }
0x106: {  	[tilespmem:s10], [sflag:$0x1] =	stream.indirect.gather [hbm4b:s3+s8], $0x80, s29, s8, $0xb8;
	[tilespmem:$0x14A00] =	vst v63  }
0x107: {  	_ = 	snop  }
0x108: {  	[tilespmem:s11], [sflag:$0x1] =	stream.indirect.gather [hbm4b:s3+s8], $0x80, s30, s8, $0xb8;
	[tilespmem:$0x14A00] =	vst v63  }
0x109: {  	_ = 	snop  }
0x10a: {  	[tilespmem:s12], [sflag:$0x1] =	stream.indirect.gather [hbm4b:s3+s8], $0x80, s31, s8, $0xb8;
	[tilespmem:$0x14A00] =	vst v63  }
0x10b: {  	_ =	swait.ge [sflag:s7], $0x4000  }
0x10c: {  	[sflag:s7] =	ssyncset.done $0x0  }
0x10d: {  	[sflag:s7] =	ssyncadd.s32 $0xFFFFC000  }
0x10e: {  	_ =	swait.ge [sflag:s7], $0x4000  }
0x10f: {  	[sflag:s7] =	ssyncset.done $0x0  }
0x110: {  	[sflag:s7] =	ssyncadd.s32 $0xFFFFC000  }
0x111: {  	_ =	swait.ge [sflag:s7], $0x4000  }
0x112: {  	[sflag:s7] =	ssyncset.done $0x0  }
0x113: {  	[sflag:s7] =	ssyncadd.s32 $0xFFFFC000  }
0x114: {  	_ =	swait.ge [sflag:s7], $0x4000  }
0x115: {  	[sflag:s7] =	ssyncset.done $0x0  }
0x116: {  	[sflag:s7] =	ssyncadd.s32 $0xFFFFC000  }
0x117: {  	_ =	swait.ge [sflag:s7], $0x4000  }
0x118: {  	[sflag:s7] =	ssyncset.done $0x0  }
0x119: {  	s1 =	rddreg [dreg:$0x3];
	[sflag:s7] =	ssyncadd.s32 $0xFFFFC000  }
0x11a: {  	[hbm4b:s1+s2] =	stream.linear.scatter [tilespmem:s6], [sflag:$0x2], $0x14000, $0x38;
	[tilespmem:$0x14A00] =	vst v63  }
0x11b: {  	_ =	swait.ge [sflag:s4], $0x14000  }
0x11c: {  	[sflag:s4] =	ssyncset.done $0x0  }
0x11d: {  	[sflag:s4] =	ssyncadd.s32 $0xFFFEC000  }
0x11e: {  	[tilespmem:s6], [sflag:$0x1] =	stream.indirect.gather [hbm4b:s3+s8], $0x80, s23, s8, $0xb8;
	[tilespmem:$0x14A00] =	vst v63  }
0x11f: {  	_ = 	snop  }
0x120: {  	[tilespmem:s9], [sflag:$0x1] =	stream.indirect.gather [hbm4b:s3+s8], $0x80, s24, s8, $0xb8;
	[tilespmem:$0x14A00] =	vst v63  }
0x121: {  	_ = 	snop  }
0x122: {  	[tilespmem:s10], [sflag:$0x1] =	stream.indirect.gather [hbm4b:s3+s8], $0x80, s25, s8, $0xb8;
	[tilespmem:$0x14A00] =	vst v63  }
0x123: {  	_ = 	snop  }
0x124: {  	[tilespmem:s11], [sflag:$0x1] =	stream.indirect.gather [hbm4b:s3+s8], $0x80, s26, s8, $0xb8;
	[tilespmem:$0x14A00] =	vst v63  }
0x125: {  	_ = 	snop  }
0x126: {  	[tilespmem:s12], [sflag:$0x1] =	stream.indirect.gather [hbm4b:s3+s8], $0x80, s28, s8, $0xb8;
	[tilespmem:$0x14A00] =	vst v63  }
0x127: {  	_ =	swait.ge [sflag:s7], $0x4000  }
0x128: {  	[sflag:s7] =	ssyncset.done $0x0  }
0x129: {  	[sflag:s7] =	ssyncadd.s32 $0xFFFFC000  }
0x12a: {  	_ =	swait.ge [sflag:s7], $0x4000  }
0x12b: {  	[sflag:s7] =	ssyncset.done $0x0  }
0x12c: {  	[sflag:s7] =	ssyncadd.s32 $0xFFFFC000  }
0x12d: {  	_ =	swait.ge [sflag:s7], $0x4000  }
0x12e: {  	[sflag:s7] =	ssyncset.done $0x0  }
0x12f: {  	[sflag:s7] =	ssyncadd.s32 $0xFFFFC000  }
0x130: {  	_ =	swait.ge [sflag:s7], $0x4000  }
0x131: {  	[sflag:s7] =	ssyncset.done $0x0  }
0x132: {  	[sflag:s7] =	ssyncadd.s32 $0xFFFFC000  }
0x133: {  	_ =	swait.ge [sflag:s7], $0x4000  }
0x134: {  	[sflag:s7] =	ssyncset.done $0x0  }
0x135: {  	s29 =	rddreg [dreg:$0x4];
	[sflag:s7] =	ssyncadd.s32 $0xFFFFC000  }
0x136: {  	[hbm4b:s29+s2] =	stream.linear.scatter [tilespmem:s6], [sflag:$0x2], $0x14000, $0x38;
	[tilespmem:$0x14A00] =	vst v63  }
0x137: {  	_ =	swait.ge [sflag:s4], $0x14000  }
0x138: {  	[sflag:s4] =	ssyncset.done $0x0  }
0x139: {  	[sflag:s4] =	ssyncadd.s32 $0xFFFEC000  }
0x13a: {  	[tilespmem:s6], [sflag:$0x1] =	stream.indirect.gather [hbm4b:s3+s8], $0x80, s18, s8, $0xb8;
	[tilespmem:$0x14A00] =	vst v63  }
0x13b: {  	_ = 	snop  }
0x13c: {  	[tilespmem:s9], [sflag:$0x1] =	stream.indirect.gather [hbm4b:s3+s8], $0x80, s19, s8, $0xb8;
	[tilespmem:$0x14A00] =	vst v63  }
0x13d: {  	_ = 	snop  }
0x13e: {  	[tilespmem:s10], [sflag:$0x1] =	stream.indirect.gather [hbm4b:s3+s8], $0x80, s20, s8, $0xb8;
	[tilespmem:$0x14A00] =	vst v63  }
0x13f: {  	_ = 	snop  }
0x140: {  	[tilespmem:s11], [sflag:$0x1] =	stream.indirect.gather [hbm4b:s3+s8], $0x80, s21, s8, $0xb8;
	[tilespmem:$0x14A00] =	vst v63  }
0x141: {  	_ = 	snop  }
0x142: {  	[tilespmem:s12], [sflag:$0x1] =	stream.indirect.gather [hbm4b:s3+s8], $0x80, s22, s8, $0xb8;
	[tilespmem:$0x14A00] =	vst v63  }
0x143: {  	_ =	swait.ge [sflag:s7], $0x4000  }
0x144: {  	[sflag:s7] =	ssyncset.done $0x0  }
0x145: {  	[sflag:s7] =	ssyncadd.s32 $0xFFFFC000  }
0x146: {  	_ =	swait.ge [sflag:s7], $0x4000  }
0x147: {  	[sflag:s7] =	ssyncset.done $0x0  }
0x148: {  	[sflag:s7] =	ssyncadd.s32 $0xFFFFC000  }
0x149: {  	_ =	swait.ge [sflag:s7], $0x4000  }
0x14a: {  	[sflag:s7] =	ssyncset.done $0x0  }
0x14b: {  	[sflag:s7] =	ssyncadd.s32 $0xFFFFC000  }
0x14c: {  	_ =	swait.ge [sflag:s7], $0x4000  }
0x14d: {  	[sflag:s7] =	ssyncset.done $0x0  }
0x14e: {  	[sflag:s7] =	ssyncadd.s32 $0xFFFFC000  }
0x14f: {  	_ =	swait.ge [sflag:s7], $0x4000  }
0x150: {  	[sflag:s7] =	ssyncset.done $0x0  }
0x151: {  	s30 =	rddreg [dreg:$0x5];
	[sflag:s7] =	ssyncadd.s32 $0xFFFFC000  }
0x152: {  	[hbm4b:s30+s2] =	stream.linear.scatter [tilespmem:s6], [sflag:$0x2], $0x14000, $0x38;
	[tilespmem:$0x14A00] =	vst v63  }
0x153: {  	_ =	swait.ge [sflag:s4], $0x14000  }
0x154: {  	[sflag:s4] =	ssyncset.done $0x0  }
0x155: {  	[sflag:s4] =	ssyncadd.s32 $0xFFFEC000  }
0x156: {  	[tilespmem:s6], [sflag:$0x1] =	stream.indirect.gather [hbm4b:s3+s8], $0x80, s13, s8, $0xb8;
	[tilespmem:$0x14A00] =	vst v63  }
0x157: {  	_ = 	snop  }
0x158: {  	[tilespmem:s9], [sflag:$0x1] =	stream.indirect.gather [hbm4b:s3+s8], $0x80, s14, s8, $0xb8;
	[tilespmem:$0x14A00] =	vst v63  }
0x159: {  	_ = 	snop  }
0x15a: {  	[tilespmem:s10], [sflag:$0x1] =	stream.indirect.gather [hbm4b:s3+s8], $0x80, s15, s8, $0xb8;
	[tilespmem:$0x14A00] =	vst v63  }
0x15b: {  	_ = 	snop  }
0x15c: {  	[tilespmem:s11], [sflag:$0x1] =	stream.indirect.gather [hbm4b:s3+s8], $0x80, s16, s8, $0xb8;
	[tilespmem:$0x14A00] =	vst v63  }
0x15d: {  	_ = 	snop  }
0x15e: {  	[tilespmem:s12], [sflag:$0x1] =	stream.indirect.gather [hbm4b:s3+s8], $0x80, s17, s8, $0xb8;
	[tilespmem:$0x14A00] =	vst v63  }
0x15f: {  	_ =	swait.ge [sflag:s7], $0x4000  }
0x160: {  	[sflag:s7] =	ssyncset.done $0x0  }
0x161: {  	[sflag:s7] =	ssyncadd.s32 $0xFFFFC000  }
0x162: {  	_ =	swait.ge [sflag:s7], $0x4000  }
0x163: {  	[sflag:s7] =	ssyncset.done $0x0  }
0x164: {  	[sflag:s7] =	ssyncadd.s32 $0xFFFFC000  }
0x165: {  	_ =	swait.ge [sflag:s7], $0x4000  }
0x166: {  	[sflag:s7] =	ssyncset.done $0x0  }
0x167: {  	[sflag:s7] =	ssyncadd.s32 $0xFFFFC000  }
0x168: {  	_ =	swait.ge [sflag:s7], $0x4000  }
0x169: {  	[sflag:s7] =	ssyncset.done $0x0  }
0x16a: {  	[sflag:s7] =	ssyncadd.s32 $0xFFFFC000  }
0x16b: {  	_ =	swait.ge [sflag:s7], $0x4000  }
0x16c: {  	[sflag:s7] =	ssyncset.done $0x0  }
0x16d: {  	[sflag:s7] =	ssyncadd.s32 $0xFFFFC000  }
0x16e: {  	[hbm4b:s5+s2] =	stream.linear.scatter [tilespmem:s6], [sflag:$0x2], $0x14000, $0x38;
	[tilespmem:$0x14A00] =	vst v63  }
0x16f: {  	_ =	swait.ge [sflag:s4], $0x14000  }
0x170: {  	[sflag:s4] =	ssyncset.done $0x0  }
0x171: {  	[sflag:s4] =	ssyncadd.s32 $0xFFFEC000  }
0x172: {  	_ =	sfence.sel $0x180000  }
0x173: {  	[bflag:$0x0] =	sbarrier.arrive $0xFFFF  }
0x174: {  	_ =	strace $0x90000047  }
0x175: {  	s31 =	stileid.u32;
	[bflag:$0x2] =	sbarrier.arrive $0xFFFF  }
0x176: {  	p0 =	sne.s32 s31, $0x0;
	s0 =	rddreg [dreg:$0x1]  }
0x177: {  	s0 =	sadd.s32 @!p0 $0x100000, s0  }
0x178: {  	[sflag:s0] =	ssyncadd.tile.s32 @!p0 $0x1;
	_ =	shalt  }
.Lfunc_end2:
_tile_overlayer_lowered:
.L_overlay_start_2:
0x179: {  	(tag) =	ssettag $0x2  }
0x17a: {  	s0 =	rddreg [dreg:$0x0];
	s2 =	stileid.u32  }
0x17b: {  	s1 =	rddreg [dreg:$0x1];
	p0 =	sne.s32 s2, $0x0  }
0x17c: {  	s3 =	rddreg [dreg:$0x2];
	[bflag:$0x3] =	sbarrier.arrive $0xFFFF;
	s2 =	simm.s32 @!p0 $0x1C02  }
0x17d: {  	[timem:s3], [sflag:s2] =	dma.local @!p0 [hbm:s0], s1  }
0x17e: {  	s0 =	simm.s32 @!p0 $0x2  }
0x17f: {  	_ =	swait.ge @!p0 [sflag:s0], s1  }
0x180: {  	s1 =	ssub.s32 @!p0 $0x0, s1;
	[sflag:s0] =	ssyncset.done @!p0 $0x0  }
0x181: {  	[sflag:s0] =	ssyncadd.s32 @!p0 s1  }
0x182: {  	[bflag:$0x3] =	sbarrier.arrive $0xFFFF  }
0x183: {  	_ =	shalt  }

</sc_bundles>
